<compile_context>
chip_gen: v7x
topology: tpu7x:2x2x1
jax: 0.10.2.dev20260603
libtpu: 0.0.44.dev20260713+nightly
codegen_flags: <defaults>
</compile_context>

<pallas_src>
import functools
import jax
import jax.numpy as jnp
from jax import lax
from jax.experimental import pallas as pl
from jax.experimental.pallas import tpu as pltpu
from jax.experimental.pallas import tpu_sc as plsc

N = 20000
LANES = 128
ROWS = 160
NPAD = ROWS * LANES
MAX_OUT = 200
SEL_PAD = 256
NMS_THRESH = 0.4
V0 = 0.1
V1 = 0.2
NEG_INF = float("-inf")
INT_MAX = 2**31 - 1


def _nms_body(x_ref, out_ref, sel_ref, chans_ref, s_ref):
    f32 = jnp.float32
    sc = x_ref[0]
    dx = x_ref[1] * f32(V0)
    dy = x_ref[2] * f32(V0)
    dw = x_ref[3] * f32(V1)
    dh = x_ref[4] * f32(V1)
    x_a = x_ref[5]
    y_a = x_ref[6]
    w_a = x_ref[7]
    h_a = x_ref[8]
    xc = dx * w_a + x_a
    yc = dy * h_a + y_a
    w = jnp.exp(dw) * w_a
    h = jnp.exp(dh) * h_a
    ymin = yc - h / 2
    xmin = xc - w / 2
    ymax = yc + h / 2
    xmax = xc + w / 2
    chans_ref[0] = ymin
    chans_ref[1] = xmin
    chans_ref[2] = ymax
    chans_ref[3] = xmax
    chans_ref[4] = (ymax - ymin) * (xmax - xmin)
    s_ref[...] = jnp.where(sc >= f32(NMS_THRESH), sc, NEG_INF)
    sel_ref[...] = jnp.full((SEL_PAD, 1), NPAD - 1, jnp.int32)

    gid = (lax.broadcasted_iota(jnp.int32, (ROWS, LANES), 0) * LANES
           + lax.broadcasted_iota(jnp.int32, (ROWS, LANES), 1))
    lane_iota = lax.broadcasted_iota(jnp.int32, (1, LANES), 1)
    out_iota = lax.broadcasted_iota(jnp.int32, (1, 16), 1)

    def body(i, carry):
        s = s_ref[...]
        m = jnp.max(s)
        ok = m > NEG_INF
        idx = jnp.min(jnp.where(s == m, gid, INT_MAX))
        r = idx // LANES
        lane = idx - r * LANES
        lonehot = lane_iota == lane
        vals = []
        for c in range(4):
            rv = chans_ref[c, pl.ds(r, 1), :]
            vals.append(jnp.sum(jnp.where(lonehot, rv, f32(0.0))))
        sy0, sx0, sy1, sx1 = vals
        area1 = (sy1 - sy0) * (sx1 - sx0)
        iy0 = jnp.maximum(sy0, chans_ref[0])
        ix0 = jnp.maximum(sx0, chans_ref[1])
        iy1 = jnp.minimum(sy1, chans_ref[2])
        ix1 = jnp.minimum(sx1, chans_ref[3])
        inter = (jnp.maximum(iy1 - iy0, f32(0.0))
                 * jnp.maximum(ix1 - ix0, f32(0.0)))
        iou = inter / (area1 + chans_ref[4] - inter + f32(1e-8))
        kill = (iou > f32(NMS_THRESH)) | (gid == idx)
        s_ref[...] = jnp.where(kill, NEG_INF, s)
        okf = jnp.where(ok, f32(1.0), f32(0.0))
        row = jnp.zeros((1, 16), jnp.float32)
        for c, v in enumerate(vals):
            row = jnp.where(out_iota == c, v, row)
        out_ref[pl.ds(i, 1), :] = row * okf
        idx_eff = jnp.where(ok, idx, NPAD - 1)
        sel_ref[pl.ds(i, 1), :] = jnp.zeros((1, 1), jnp.int32) + idx_eff
        return carry

    lax.fori_loop(0, MAX_OUT, body, 0)


def _make_sc_lnd():
    mesh = plsc.VectorSubcoreMesh(core_axis_name="c", subcore_axis_name="s")

    @functools.partial(
        pl.kernel, mesh=mesh,
        out_type=jax.ShapeDtypeStruct((SEL_PAD, 16), jnp.float32),
        scratch_types=[
            pltpu.VMEM((8,), jnp.int32),
            pltpu.VMEM((8, 128), jnp.float32),
            pltpu.VMEM((8, 16), jnp.float32),
            pltpu.SemaphoreType.DMA,
        ],
    )
    def sc_lnd(xrow_hbm, sel_hbm, out_hbm, idx_v, rows_v, outr_v, sem):
        f32 = jnp.float32
        wid = lax.axis_index("s") * 2 + lax.axis_index("c")
        base = wid * 8
        pltpu.sync_copy(sel_hbm.at[pl.ds(base, 8)], idx_v)
        pltpu.async_copy(xrow_hbm.at[idx_v], rows_v, sem).wait()
        lane = lax.iota(jnp.int32, 16)
        for i in range(8):
            raw = rows_v[i, pl.ds(0, 16)]
            mult = rows_v[i, pl.ds(16, 16)]
            add = rows_v[i, pl.ds(32, 16)]
            dec = (raw * f32(V0)) * mult + add
            outr_v[i] = jnp.where(lane < 10, dec, f32(0.0))
        pltpu.sync_copy(outr_v, out_hbm.at[pl.ds(base, 8)])

    return sc_lnd


def kernel(cls_pred, reg_pred, lnd_pred, anchors):
    scores = cls_pred[0, :, 1]
    x9 = jnp.concatenate([scores[:, None], reg_pred[0], anchors], axis=1)
    xt = jnp.pad(x9.T, ((0, 0), (0, NPAD - N))).reshape(9, ROWS, LANES)
    boxes16, sel = pl.pallas_call(
        _nms_body,
        out_shape=(
            jax.ShapeDtypeStruct((MAX_OUT, 16), jnp.float32),
            jax.ShapeDtypeStruct((SEL_PAD, 1), jnp.int32),
        ),
        scratch_shapes=[
            pltpu.VMEM((5, ROWS, LANES), jnp.float32),
            pltpu.VMEM((ROWS, LANES), jnp.float32),
        ],
    )(xt)
    lnd16 = jnp.pad(lnd_pred[0], ((0, 0), (0, 6)))
    mult = jnp.tile(anchors[:, 2:4], (1, 8))
    add = jnp.tile(anchors[:, 0:2], (1, 8))
    xrow = jnp.pad(jnp.concatenate([lnd16, mult, add], axis=1),
                   ((0, NPAD - N), (0, 128 - 48)))
    lnd = _make_sc_lnd()(xrow, sel[:, 0])
    return boxes16[:, :4], lnd[:MAX_OUT, :10]

# --- scband reference (transcript-rebuilt; emitter-appended) ---
"""Pipeline reference for scband-nms-20710332301630 (READ-ONLY COPY).

The authoritative reference and input builder live on the scoring server;
editing this copy changes nothing except your own understanding.
"""

import jax, jax.numpy as jnp
import numpy as np

N = 20000
NMS_THRESH = 0.4
VARIANCES = (0.1, 0.2)
MAX_OUT = 200


def setup_inputs(seed: int = 0) -> dict:
    key = jax.random.key(seed)
    k1, k2, k3, k4 = jax.random.split(key, 4)
    return {
        "cls_pred": jax.random.normal(k1, (1, N, 2), dtype=jnp.float32),
        "reg_pred": jax.random.normal(k2, (1, N, 4), dtype=jnp.float32),
        "lnd_pred": jax.random.normal(k3, (1, N, 10), dtype=jnp.float32),
        "anchors": jax.random.uniform(k4, (N, 4), dtype=jnp.float32, minval=0.05, maxval=1.0),
    }


def _iou_one_vs_all(box, boxes):
    ymin = jnp.maximum(box[0], boxes[:, 0])
    xmin = jnp.maximum(box[1], boxes[:, 1])
    ymax = jnp.minimum(box[2], boxes[:, 2])
    xmax = jnp.minimum(box[3], boxes[:, 3])
    inter = jnp.maximum(ymax - ymin, 0.0) * jnp.maximum(xmax - xmin, 0.0)
    area1 = (box[2] - box[0]) * (box[3] - box[1])
    area2 = (boxes[:, 2] - boxes[:, 0]) * (boxes[:, 3] - boxes[:, 1])
    return inter / (area1 + area2 - inter + 1e-8)


def _nms(boxes, scores, iou_thresh, score_thresh, max_out):
    # emulate tf.image.non_max_suppression with fixed-size (padded) output
    s0 = jnp.where(scores >= score_thresh, scores, -jnp.inf)
    sel0 = jnp.zeros((max_out,), dtype=jnp.int32)
    val0 = jnp.zeros((max_out,), dtype=jnp.float32)

    def body(i, state):
        sel, val, s = state
        idx = jnp.argmax(s)
        ok = s[idx] > -jnp.inf
        iou = _iou_one_vs_all(boxes[idx], boxes)
        s = jnp.where(iou > iou_thresh, -jnp.inf, s)
        s = s.at[idx].set(-jnp.inf)
        sel = sel.at[i].set(jnp.where(ok, idx.astype(jnp.int32), 0))
        val = val.at[i].set(ok.astype(jnp.float32))
        return sel, val, s

    sel, val, _ = jax.lax.fori_loop(0, max_out, body, (sel0, val0, s0))
    return sel, val


def _decode(cls_pred, reg_pred, lnd_pred, anchors):
    scores = cls_pred.reshape(-1, 2)[:, 1]
    reg = reg_pred.reshape(-1, 4) * jnp.array(
        [VARIANCES[0], VARIANCES[0], VARIANCES[1], VARIANCES[1]], dtype=jnp.float32)
    dx, dy, dw, dh = reg[:, 0], reg[:, 1], reg[:, 2], reg[:, 3]
    x_a, y_a, w_a, h_a = anchors[:, 0], anchors[:, 1], anchors[:, 2], anchors[:, 3]
    xc = dx * w_a + x_a
    yc = dy * h_a + y_a
    w = jnp.exp(dw) * w_a
    h = jnp.exp(dh) * h_a
    boxes = jnp.stack([yc - h / 2, xc - w / 2, yc + h / 2, xc + w / 2], axis=1)
    lnd = lnd_pred.reshape(-1, 5, 2) * VARIANCES[0]
    xs = lnd[..., 0] * w_a[:, None] + x_a[:, None]
    ys = lnd[..., 1] * h_a[:, None] + y_a[:, None]
    lnd = jnp.stack([xs, ys], axis=-1).reshape(-1, 10)
    return boxes, scores, lnd


def reference(cls_pred, reg_pred, lnd_pred, anchors):
    boxes, scores, lnd = _decode(cls_pred, reg_pred, lnd_pred, anchors)
    sel, valid = _nms(jax.lax.stop_gradient(boxes), jax.lax.stop_gradient(scores),
                      NMS_THRESH, NMS_THRESH, MAX_OUT)
    boxes_sel = boxes[sel] * valid[:, None]
    lnd_sel = lnd[sel] * valid[:, None]
    return boxes_sel, lnd_sel

if __name__ == "__main__":
    import jax
    _d = setup_inputs()
    print(jax.jit(kernel)(*tuple(_d.values())))

</pallas_src>

<mosaic_0001>
#map = affine_map<(d0, d1) -> (0, 0)>
#map1 = affine_map<(d0, d1) -> (0)>
module attributes {stable_mosaic.version = 14 : i64} {
  func.func @sc_lnd(%arg0: i32, %arg1: i32, %arg2: memref<20480x128xf32, #tpu.memory_space<hbm>>, %arg3: memref<256xi32, #tpu.memory_space<hbm>>, %arg4: memref<256x16xf32, #tpu.memory_space<hbm>>, %arg5: memref<8xi32, #tpu.memory_space<vmem>>, %arg6: memref<8x128xf32, #tpu.memory_space<vmem>>, %arg7: memref<8x16xf32, #tpu.memory_space<vmem>>, %arg8: memref<!tpu.dma_semaphore, #tpu.memory_space<semaphore_mem>>) attributes {dimension_semantics = [#tpu.dimension_semantics<core_parallel>, #tpu.dimension_semantics<subcore_parallel>], iteration_bounds = array<i64: 2, 16>, scalar_prefetch = 0 : i64, scratch_operands = 4 : i64, tpu.core_type = #tpu.core_type<sc_vector_subcore>, window_params = [{transform_indices = #map}, {transform_indices = #map1}, {transform_indices = #map}]} {
    %mul3A = arith.constant 2 : i32
    %mul3A_0 = arith.muli %arg1, %mul3A : i32
    %add3A = arith.addi %mul3A_0, %arg0 : i32
    %mul3A_1 = arith.constant 8 : i32
    %mul3A_2 = arith.muli %add3A, %mul3A_1 : i32
    "tpu.region"() ({
      %run_scoped3A = tpu.sem_alloc : memref<!tpu.dma_semaphore, #tpu.memory_space<semaphore_mem>>
      %dma_start3A_257 = tpu.memref_slice %arg3[%mul3A_2] : memref<256xi32, #tpu.memory_space<hbm>> -> memref<8xi32, #tpu.memory_space<hbm>>
      %dma_start3A_258 = tpu.memref_slice %arg3[%mul3A_2] : memref<256xi32, #tpu.memory_space<hbm>> -> memref<8xi32, #tpu.memory_space<hbm>>
      tpu.enqueue_dma source(%dma_start3A_258 : memref<8xi32, #tpu.memory_space<hbm>>) target(%arg5 : memref<8xi32, #tpu.memory_space<vmem>>) target_semaphore(%run_scoped3A : memref<!tpu.dma_semaphore, #tpu.memory_space<semaphore_mem>>)
      %dma_wait3A_259 = tpu.memref_slice %arg3[%mul3A_2] : memref<256xi32, #tpu.memory_space<hbm>> -> memref<8xi32, #tpu.memory_space<hbm>>
      %dma_wait3A_260 = tpu.memref_slice %arg3[%mul3A_2] : memref<256xi32, #tpu.memory_space<hbm>> -> memref<8xi32, #tpu.memory_space<hbm>>
      tpu.wait_dma2 semaphore(%run_scoped3A : memref<!tpu.dma_semaphore, #tpu.memory_space<semaphore_mem>>) src(%dma_wait3A_260 : memref<8xi32, #tpu.memory_space<hbm>>) dst(%arg5 : memref<8xi32, #tpu.memory_space<vmem>>)
      tpu.yield
    }) : () -> ()
    %dma_start3A = arith.constant 0 : i32
    %dma_start3A_3 = arith.constant 0 : i32
    %dma_start3A_4 = tpu.memref_slice %arg2[%dma_start3A, %dma_start3A_3] : memref<20480x128xf32, #tpu.memory_space<hbm>> -> memref<20480x128xf32, #tpu.memory_space<hbm>>
    tpu.enqueue_indirect_dma source(%dma_start3A_4 : memref<20480x128xf32, #tpu.memory_space<hbm>>) target(%arg6 : memref<8x128xf32, #tpu.memory_space<vmem>>) offsets(%arg5 : memref<8xi32, #tpu.memory_space<vmem>>) semaphore(%arg8 : memref<!tpu.dma_semaphore, #tpu.memory_space<semaphore_mem>>)
    %dma_wait3A = arith.constant 0 : i32
    %dma_wait3A_5 = arith.constant 0 : i32
    %dma_wait3A_6 = tpu.memref_slice %arg2[%dma_wait3A, %dma_wait3A_5] : memref<20480x128xf32, #tpu.memory_space<hbm>> -> memref<20480x128xf32, #tpu.memory_space<hbm>>
    tpu.wait_indirect_dma semaphore(%arg8 : memref<!tpu.dma_semaphore, #tpu.memory_space<semaphore_mem>>) src(%dma_wait3A_6 : memref<20480x128xf32, #tpu.memory_space<hbm>>) dst(%arg6 : memref<8x128xf32, #tpu.memory_space<vmem>>)
    %iota3A = tpu.iota {dimensions = array<i32: 0>} : vector<16xi32>
    %get3A = arith.constant 0 : i32
    %get3A_7 = arith.index_cast %get3A : i32 to index
    %get3A_8 = arith.constant 0 : index
    %get3A_9 = tpu.vector_load %arg6[%get3A_7, %get3A_8] {strides = array<i32>} : memref<8x128xf32, #tpu.memory_space<vmem>>, vector<1x16xf32>,
    %get3A_10 = vector.shape_cast %get3A_9 : vector<1x16xf32> to vector<16xf32>
    %get3A_11 = arith.constant 0 : i32
    %get3A_12 = arith.index_cast %get3A_11 : i32 to index
    %get3A_13 = arith.constant 16 : index
    %get3A_14 = tpu.vector_load %arg6[%get3A_12, %get3A_13] {strides = array<i32>} : memref<8x128xf32, #tpu.memory_space<vmem>>, vector<1x16xf32>,
    %get3A_15 = vector.shape_cast %get3A_14 : vector<1x16xf32> to vector<16xf32>
    %get3A_16 = arith.constant 0 : i32
    %get3A_17 = arith.index_cast %get3A_16 : i32 to index
    %get3A_18 = arith.constant 32 : index
    %get3A_19 = tpu.vector_load %arg6[%get3A_17, %get3A_18] {strides = array<i32>} : memref<8x128xf32, #tpu.memory_space<vmem>>, vector<1x16xf32>,
    %get3A_20 = vector.shape_cast %get3A_19 : vector<1x16xf32> to vector<16xf32>
    %mul3A_21 = arith.constant 1.000000e-01 : f32
    %mul3A_22 = vector.broadcast %mul3A_21 : f32 to vector<16xf32>
    %mul3A_23 = arith.mulf %get3A_10, %mul3A_22 : vector<16xf32>
    %mul3A_24 = arith.mulf %mul3A_23, %get3A_15 : vector<16xf32>
    %add3A_25 = arith.addf %mul3A_24, %get3A_20 : vector<16xf32>
    %lt3A = arith.constant 10 : i32
    %lt3A_26 = vector.broadcast %lt3A : i32 to vector<16xi32>
    %lt3A_27 = arith.cmpi slt, %iota3A, %lt3A_26 : vector<16xi32>
    %jit3A = arith.constant 0.000000e+00 : f32
    %broadcast_in_dim3A = vector.broadcast %jit3A : f32 to vector<16xf32>
    %select_n3A = arith.select %lt3A_27, %add3A_25, %broadcast_in_dim3A : vector<16xi1>, vector<16xf32>
    %swap3A = arith.constant 0 : i32
    %swap3A_28 = arith.index_cast %swap3A : i32 to index
    %swap3A_29 = arith.constant 0 : index
    %swap3A_30 = tpu.vector_load %arg7[%swap3A_28, %swap3A_29] {strides = array<i32>} : memref<8x16xf32, #tpu.memory_space<vmem>>, vector<1x16xf32>,
    %swap3A_31 = vector.shape_cast %swap3A_30 : vector<1x16xf32> to vector<16xf32>
    %swap3A_32 = vector.shape_cast %select_n3A : vector<16xf32> to vector<1x16xf32>
    tpu.vector_store %arg7[%swap3A_28, %swap3A_29], %swap3A_32 {strides = array<i32>} : memref<8x16xf32, #tpu.memory_space<vmem>>, vector<1x16xf32>,
    %get3A_33 = arith.constant 1 : i32
    %get3A_34 = arith.index_cast %get3A_33 : i32 to index
    %get3A_35 = arith.constant 0 : index
    %get3A_36 = tpu.vector_load %arg6[%get3A_34, %get3A_35] {strides = array<i32>} : memref<8x128xf32, #tpu.memory_space<vmem>>, vector<1x16xf32>,
    %get3A_37 = vector.shape_cast %get3A_36 : vector<1x16xf32> to vector<16xf32>
    %get3A_38 = arith.constant 1 : i32
    %get3A_39 = arith.index_cast %get3A_38 : i32 to index
    %get3A_40 = arith.constant 16 : index
    %get3A_41 = tpu.vector_load %arg6[%get3A_39, %get3A_40] {strides = array<i32>} : memref<8x128xf32, #tpu.memory_space<vmem>>, vector<1x16xf32>,
    %get3A_42 = vector.shape_cast %get3A_41 : vector<1x16xf32> to vector<16xf32>
    %get3A_43 = arith.constant 1 : i32
    %get3A_44 = arith.index_cast %get3A_43 : i32 to index
    %get3A_45 = arith.constant 32 : index
    %get3A_46 = tpu.vector_load %arg6[%get3A_44, %get3A_45] {strides = array<i32>} : memref<8x128xf32, #tpu.memory_space<vmem>>, vector<1x16xf32>,
    %get3A_47 = vector.shape_cast %get3A_46 : vector<1x16xf32> to vector<16xf32>
    %mul3A_48 = arith.constant 1.000000e-01 : f32
    %mul3A_49 = vector.broadcast %mul3A_48 : f32 to vector<16xf32>
    %mul3A_50 = arith.mulf %get3A_37, %mul3A_49 : vector<16xf32>
    %mul3A_51 = arith.mulf %mul3A_50, %get3A_42 : vector<16xf32>
    %add3A_52 = arith.addf %mul3A_51, %get3A_47 : vector<16xf32>
    %lt3A_53 = arith.constant 10 : i32
    %lt3A_54 = vector.broadcast %lt3A_53 : i32 to vector<16xi32>
    %lt3A_55 = arith.cmpi slt, %iota3A, %lt3A_54 : vector<16xi32>
    %jit3A_56 = arith.constant 0.000000e+00 : f32
    %broadcast_in_dim3A_57 = vector.broadcast %jit3A_56 : f32 to vector<16xf32>
    %select_n3A_58 = arith.select %lt3A_55, %add3A_52, %broadcast_in_dim3A_57 : vector<16xi1>, vector<16xf32>
    %swap3A_59 = arith.constant 1 : i32
    %swap3A_60 = arith.index_cast %swap3A_59 : i32 to index
    %swap3A_61 = arith.constant 0 : index
    %swap3A_62 = tpu.vector_load %arg7[%swap3A_60, %swap3A_61] {strides = array<i32>} : memref<8x16xf32, #tpu.memory_space<vmem>>, vector<1x16xf32>,
    %swap3A_63 = vector.shape_cast %swap3A_62 : vector<1x16xf32> to vector<16xf32>
    %swap3A_64 = vector.shape_cast %select_n3A_58 : vector<16xf32> to vector<1x16xf32>
    tpu.vector_store %arg7[%swap3A_60, %swap3A_61], %swap3A_64 {strides = array<i32>} : memref<8x16xf32, #tpu.memory_space<vmem>>, vector<1x16xf32>,
    %get3A_65 = arith.constant 2 : i32
    %get3A_66 = arith.index_cast %get3A_65 : i32 to index
    %get3A_67 = arith.constant 0 : index
    %get3A_68 = tpu.vector_load %arg6[%get3A_66, %get3A_67] {strides = array<i32>} : memref<8x128xf32, #tpu.memory_space<vmem>>, vector<1x16xf32>,
    %get3A_69 = vector.shape_cast %get3A_68 : vector<1x16xf32> to vector<16xf32>
    %get3A_70 = arith.constant 2 : i32
    %get3A_71 = arith.index_cast %get3A_70 : i32 to index
    %get3A_72 = arith.constant 16 : index
    %get3A_73 = tpu.vector_load %arg6[%get3A_71, %get3A_72] {strides = array<i32>} : memref<8x128xf32, #tpu.memory_space<vmem>>, vector<1x16xf32>,
    %get3A_74 = vector.shape_cast %get3A_73 : vector<1x16xf32> to vector<16xf32>
    %get3A_75 = arith.constant 2 : i32
    %get3A_76 = arith.index_cast %get3A_75 : i32 to index
    %get3A_77 = arith.constant 32 : index
    %get3A_78 = tpu.vector_load %arg6[%get3A_76, %get3A_77] {strides = array<i32>} : memref<8x128xf32, #tpu.memory_space<vmem>>, vector<1x16xf32>,
    %get3A_79 = vector.shape_cast %get3A_78 : vector<1x16xf32> to vector<16xf32>
    %mul3A_80 = arith.constant 1.000000e-01 : f32
    %mul3A_81 = vector.broadcast %mul3A_80 : f32 to vector<16xf32>
    %mul3A_82 = arith.mulf %get3A_69, %mul3A_81 : vector<16xf32>
    %mul3A_83 = arith.mulf %mul3A_82, %get3A_74 : vector<16xf32>
    %add3A_84 = arith.addf %mul3A_83, %get3A_79 : vector<16xf32>
    %lt3A_85 = arith.constant 10 : i32
    %lt3A_86 = vector.broadcast %lt3A_85 : i32 to vector<16xi32>
    %lt3A_87 = arith.cmpi slt, %iota3A, %lt3A_86 : vector<16xi32>
    %jit3A_88 = arith.constant 0.000000e+00 : f32
    %broadcast_in_dim3A_89 = vector.broadcast %jit3A_88 : f32 to vector<16xf32>
    %select_n3A_90 = arith.select %lt3A_87, %add3A_84, %broadcast_in_dim3A_89 : vector<16xi1>, vector<16xf32>
    %swap3A_91 = arith.constant 2 : i32
    %swap3A_92 = arith.index_cast %swap3A_91 : i32 to index
    %swap3A_93 = arith.constant 0 : index
    %swap3A_94 = tpu.vector_load %arg7[%swap3A_92, %swap3A_93] {strides = array<i32>} : memref<8x16xf32, #tpu.memory_space<vmem>>, vector<1x16xf32>,
    %swap3A_95 = vector.shape_cast %swap3A_94 : vector<1x16xf32> to vector<16xf32>
    %swap3A_96 = vector.shape_cast %select_n3A_90 : vector<16xf32> to vector<1x16xf32>
    tpu.vector_store %arg7[%swap3A_92, %swap3A_93], %swap3A_96 {strides = array<i32>} : memref<8x16xf32, #tpu.memory_space<vmem>>, vector<1x16xf32>,
    %get3A_97 = arith.constant 3 : i32
    %get3A_98 = arith.index_cast %get3A_97 : i32 to index
    %get3A_99 = arith.constant 0 : index
    %get3A_100 = tpu.vector_load %arg6[%get3A_98, %get3A_99] {strides = array<i32>} : memref<8x128xf32, #tpu.memory_space<vmem>>, vector<1x16xf32>,
    %get3A_101 = vector.shape_cast %get3A_100 : vector<1x16xf32> to vector<16xf32>
    %get3A_102 = arith.constant 3 : i32
    %get3A_103 = arith.index_cast %get3A_102 : i32 to index
    %get3A_104 = arith.constant 16 : index
    %get3A_105 = tpu.vector_load %arg6[%get3A_103, %get3A_104] {strides = array<i32>} : memref<8x128xf32, #tpu.memory_space<vmem>>, vector<1x16xf32>,
    %get3A_106 = vector.shape_cast %get3A_105 : vector<1x16xf32> to vector<16xf32>
    %get3A_107 = arith.constant 3 : i32
    %get3A_108 = arith.index_cast %get3A_107 : i32 to index
    %get3A_109 = arith.constant 32 : index
    %get3A_110 = tpu.vector_load %arg6[%get3A_108, %get3A_109] {strides = array<i32>} : memref<8x128xf32, #tpu.memory_space<vmem>>, vector<1x16xf32>,
    %get3A_111 = vector.shape_cast %get3A_110 : vector<1x16xf32> to vector<16xf32>
    %mul3A_112 = arith.constant 1.000000e-01 : f32
    %mul3A_113 = vector.broadcast %mul3A_112 : f32 to vector<16xf32>
    %mul3A_114 = arith.mulf %get3A_101, %mul3A_113 : vector<16xf32>
    %mul3A_115 = arith.mulf %mul3A_114, %get3A_106 : vector<16xf32>
    %add3A_116 = arith.addf %mul3A_115, %get3A_111 : vector<16xf32>
    %lt3A_117 = arith.constant 10 : i32
    %lt3A_118 = vector.broadcast %lt3A_117 : i32 to vector<16xi32>
    %lt3A_119 = arith.cmpi slt, %iota3A, %lt3A_118 : vector<16xi32>
    %jit3A_120 = arith.constant 0.000000e+00 : f32
    %broadcast_in_dim3A_121 = vector.broadcast %jit3A_120 : f32 to vector<16xf32>
    %select_n3A_122 = arith.select %lt3A_119, %add3A_116, %broadcast_in_dim3A_121 : vector<16xi1>, vector<16xf32>
    %swap3A_123 = arith.constant 3 : i32
    %swap3A_124 = arith.index_cast %swap3A_123 : i32 to index
    %swap3A_125 = arith.constant 0 : index
    %swap3A_126 = tpu.vector_load %arg7[%swap3A_124, %swap3A_125] {strides = array<i32>} : memref<8x16xf32, #tpu.memory_space<vmem>>, vector<1x16xf32>,
    %swap3A_127 = vector.shape_cast %swap3A_126 : vector<1x16xf32> to vector<16xf32>
    %swap3A_128 = vector.shape_cast %select_n3A_122 : vector<16xf32> to vector<1x16xf32>
    tpu.vector_store %arg7[%swap3A_124, %swap3A_125], %swap3A_128 {strides = array<i32>} : memref<8x16xf32, #tpu.memory_space<vmem>>, vector<1x16xf32>,
    %get3A_129 = arith.constant 4 : i32
    %get3A_130 = arith.index_cast %get3A_129 : i32 to index
    %get3A_131 = arith.constant 0 : index
    %get3A_132 = tpu.vector_load %arg6[%get3A_130, %get3A_131] {strides = array<i32>} : memref<8x128xf32, #tpu.memory_space<vmem>>, vector<1x16xf32>,
    %get3A_133 = vector.shape_cast %get3A_132 : vector<1x16xf32> to vector<16xf32>
    %get3A_134 = arith.constant 4 : i32
    %get3A_135 = arith.index_cast %get3A_134 : i32 to index
    %get3A_136 = arith.constant 16 : index
    %get3A_137 = tpu.vector_load %arg6[%get3A_135, %get3A_136] {strides = array<i32>} : memref<8x128xf32, #tpu.memory_space<vmem>>, vector<1x16xf32>,
    %get3A_138 = vector.shape_cast %get3A_137 : vector<1x16xf32> to vector<16xf32>
    %get3A_139 = arith.constant 4 : i32
    %get3A_140 = arith.index_cast %get3A_139 : i32 to index
    %get3A_141 = arith.constant 32 : index
    %get3A_142 = tpu.vector_load %arg6[%get3A_140, %get3A_141] {strides = array<i32>} : memref<8x128xf32, #tpu.memory_space<vmem>>, vector<1x16xf32>,
    %get3A_143 = vector.shape_cast %get3A_142 : vector<1x16xf32> to vector<16xf32>
    %mul3A_144 = arith.constant 1.000000e-01 : f32
    %mul3A_145 = vector.broadcast %mul3A_144 : f32 to vector<16xf32>
    %mul3A_146 = arith.mulf %get3A_133, %mul3A_145 : vector<16xf32>
    %mul3A_147 = arith.mulf %mul3A_146, %get3A_138 : vector<16xf32>
    %add3A_148 = arith.addf %mul3A_147, %get3A_143 : vector<16xf32>
    %lt3A_149 = arith.constant 10 : i32
    %lt3A_150 = vector.broadcast %lt3A_149 : i32 to vector<16xi32>
    %lt3A_151 = arith.cmpi slt, %iota3A, %lt3A_150 : vector<16xi32>
    %jit3A_152 = arith.constant 0.000000e+00 : f32
    %broadcast_in_dim3A_153 = vector.broadcast %jit3A_152 : f32 to vector<16xf32>
    %select_n3A_154 = arith.select %lt3A_151, %add3A_148, %broadcast_in_dim3A_153 : vector<16xi1>, vector<16xf32>
    %swap3A_155 = arith.constant 4 : i32
    %swap3A_156 = arith.index_cast %swap3A_155 : i32 to index
    %swap3A_157 = arith.constant 0 : index
    %swap3A_158 = tpu.vector_load %arg7[%swap3A_156, %swap3A_157] {strides = array<i32>} : memref<8x16xf32, #tpu.memory_space<vmem>>, vector<1x16xf32>,
    %swap3A_159 = vector.shape_cast %swap3A_158 : vector<1x16xf32> to vector<16xf32>
    %swap3A_160 = vector.shape_cast %select_n3A_154 : vector<16xf32> to vector<1x16xf32>
    tpu.vector_store %arg7[%swap3A_156, %swap3A_157], %swap3A_160 {strides = array<i32>} : memref<8x16xf32, #tpu.memory_space<vmem>>, vector<1x16xf32>,
    %get3A_161 = arith.constant 5 : i32
    %get3A_162 = arith.index_cast %get3A_161 : i32 to index
    %get3A_163 = arith.constant 0 : index
    %get3A_164 = tpu.vector_load %arg6[%get3A_162, %get3A_163] {strides = array<i32>} : memref<8x128xf32, #tpu.memory_space<vmem>>, vector<1x16xf32>,
    %get3A_165 = vector.shape_cast %get3A_164 : vector<1x16xf32> to vector<16xf32>
    %get3A_166 = arith.constant 5 : i32
    %get3A_167 = arith.index_cast %get3A_166 : i32 to index
    %get3A_168 = arith.constant 16 : index
    %get3A_169 = tpu.vector_load %arg6[%get3A_167, %get3A_168] {strides = array<i32>} : memref<8x128xf32, #tpu.memory_space<vmem>>, vector<1x16xf32>,
    %get3A_170 = vector.shape_cast %get3A_169 : vector<1x16xf32> to vector<16xf32>
    %get3A_171 = arith.constant 5 : i32
    %get3A_172 = arith.index_cast %get3A_171 : i32 to index
    %get3A_173 = arith.constant 32 : index
    %get3A_174 = tpu.vector_load %arg6[%get3A_172, %get3A_173] {strides = array<i32>} : memref<8x128xf32, #tpu.memory_space<vmem>>, vector<1x16xf32>,
    %get3A_175 = vector.shape_cast %get3A_174 : vector<1x16xf32> to vector<16xf32>
    %mul3A_176 = arith.constant 1.000000e-01 : f32
    %mul3A_177 = vector.broadcast %mul3A_176 : f32 to vector<16xf32>
    %mul3A_178 = arith.mulf %get3A_165, %mul3A_177 : vector<16xf32>
    %mul3A_179 = arith.mulf %mul3A_178, %get3A_170 : vector<16xf32>
    %add3A_180 = arith.addf %mul3A_179, %get3A_175 : vector<16xf32>
    %lt3A_181 = arith.constant 10 : i32
    %lt3A_182 = vector.broadcast %lt3A_181 : i32 to vector<16xi32>
    %lt3A_183 = arith.cmpi slt, %iota3A, %lt3A_182 : vector<16xi32>
    %jit3A_184 = arith.constant 0.000000e+00 : f32
    %broadcast_in_dim3A_185 = vector.broadcast %jit3A_184 : f32 to vector<16xf32>
    %select_n3A_186 = arith.select %lt3A_183, %add3A_180, %broadcast_in_dim3A_185 : vector<16xi1>, vector<16xf32>
    %swap3A_187 = arith.constant 5 : i32
    %swap3A_188 = arith.index_cast %swap3A_187 : i32 to index
    %swap3A_189 = arith.constant 0 : index
    %swap3A_190 = tpu.vector_load %arg7[%swap3A_188, %swap3A_189] {strides = array<i32>} : memref<8x16xf32, #tpu.memory_space<vmem>>, vector<1x16xf32>,
    %swap3A_191 = vector.shape_cast %swap3A_190 : vector<1x16xf32> to vector<16xf32>
    %swap3A_192 = vector.shape_cast %select_n3A_186 : vector<16xf32> to vector<1x16xf32>
    tpu.vector_store %arg7[%swap3A_188, %swap3A_189], %swap3A_192 {strides = array<i32>} : memref<8x16xf32, #tpu.memory_space<vmem>>, vector<1x16xf32>,
    %get3A_193 = arith.constant 6 : i32
    %get3A_194 = arith.index_cast %get3A_193 : i32 to index
    %get3A_195 = arith.constant 0 : index
    %get3A_196 = tpu.vector_load %arg6[%get3A_194, %get3A_195] {strides = array<i32>} : memref<8x128xf32, #tpu.memory_space<vmem>>, vector<1x16xf32>,
    %get3A_197 = vector.shape_cast %get3A_196 : vector<1x16xf32> to vector<16xf32>
    %get3A_198 = arith.constant 6 : i32
    %get3A_199 = arith.index_cast %get3A_198 : i32 to index
    %get3A_200 = arith.constant 16 : index
    %get3A_201 = tpu.vector_load %arg6[%get3A_199, %get3A_200] {strides = array<i32>} : memref<8x128xf32, #tpu.memory_space<vmem>>, vector<1x16xf32>,
    %get3A_202 = vector.shape_cast %get3A_201 : vector<1x16xf32> to vector<16xf32>
    %get3A_203 = arith.constant 6 : i32
    %get3A_204 = arith.index_cast %get3A_203 : i32 to index
    %get3A_205 = arith.constant 32 : index
    %get3A_206 = tpu.vector_load %arg6[%get3A_204, %get3A_205] {strides = array<i32>} : memref<8x128xf32, #tpu.memory_space<vmem>>, vector<1x16xf32>,
    %get3A_207 = vector.shape_cast %get3A_206 : vector<1x16xf32> to vector<16xf32>
    %mul3A_208 = arith.constant 1.000000e-01 : f32
    %mul3A_209 = vector.broadcast %mul3A_208 : f32 to vector<16xf32>
    %mul3A_210 = arith.mulf %get3A_197, %mul3A_209 : vector<16xf32>
    %mul3A_211 = arith.mulf %mul3A_210, %get3A_202 : vector<16xf32>
    %add3A_212 = arith.addf %mul3A_211, %get3A_207 : vector<16xf32>
    %lt3A_213 = arith.constant 10 : i32
    %lt3A_214 = vector.broadcast %lt3A_213 : i32 to vector<16xi32>
    %lt3A_215 = arith.cmpi slt, %iota3A, %lt3A_214 : vector<16xi32>
    %jit3A_216 = arith.constant 0.000000e+00 : f32
    %broadcast_in_dim3A_217 = vector.broadcast %jit3A_216 : f32 to vector<16xf32>
    %select_n3A_218 = arith.select %lt3A_215, %add3A_212, %broadcast_in_dim3A_217 : vector<16xi1>, vector<16xf32>
    %swap3A_219 = arith.constant 6 : i32
    %swap3A_220 = arith.index_cast %swap3A_219 : i32 to index
    %swap3A_221 = arith.constant 0 : index
    %swap3A_222 = tpu.vector_load %arg7[%swap3A_220, %swap3A_221] {strides = array<i32>} : memref<8x16xf32, #tpu.memory_space<vmem>>, vector<1x16xf32>,
    %swap3A_223 = vector.shape_cast %swap3A_222 : vector<1x16xf32> to vector<16xf32>
    %swap3A_224 = vector.shape_cast %select_n3A_218 : vector<16xf32> to vector<1x16xf32>
    tpu.vector_store %arg7[%swap3A_220, %swap3A_221], %swap3A_224 {strides = array<i32>} : memref<8x16xf32, #tpu.memory_space<vmem>>, vector<1x16xf32>,
    %get3A_225 = arith.constant 7 : i32
    %get3A_226 = arith.index_cast %get3A_225 : i32 to index
    %get3A_227 = arith.constant 0 : index
    %get3A_228 = tpu.vector_load %arg6[%get3A_226, %get3A_227] {strides = array<i32>} : memref<8x128xf32, #tpu.memory_space<vmem>>, vector<1x16xf32>,
    %get3A_229 = vector.shape_cast %get3A_228 : vector<1x16xf32> to vector<16xf32>
    %get3A_230 = arith.constant 7 : i32
    %get3A_231 = arith.index_cast %get3A_230 : i32 to index
    %get3A_232 = arith.constant 16 : index
    %get3A_233 = tpu.vector_load %arg6[%get3A_231, %get3A_232] {strides = array<i32>} : memref<8x128xf32, #tpu.memory_space<vmem>>, vector<1x16xf32>,
    %get3A_234 = vector.shape_cast %get3A_233 : vector<1x16xf32> to vector<16xf32>
    %get3A_235 = arith.constant 7 : i32
    %get3A_236 = arith.index_cast %get3A_235 : i32 to index
    %get3A_237 = arith.constant 32 : index
    %get3A_238 = tpu.vector_load %arg6[%get3A_236, %get3A_237] {strides = array<i32>} : memref<8x128xf32, #tpu.memory_space<vmem>>, vector<1x16xf32>,
    %get3A_239 = vector.shape_cast %get3A_238 : vector<1x16xf32> to vector<16xf32>
    %mul3A_240 = arith.constant 1.000000e-01 : f32
    %mul3A_241 = vector.broadcast %mul3A_240 : f32 to vector<16xf32>
    %mul3A_242 = arith.mulf %get3A_229, %mul3A_241 : vector<16xf32>
    %mul3A_243 = arith.mulf %mul3A_242, %get3A_234 : vector<16xf32>
    %add3A_244 = arith.addf %mul3A_243, %get3A_239 : vector<16xf32>
    %lt3A_245 = arith.constant 10 : i32
    %lt3A_246 = vector.broadcast %lt3A_245 : i32 to vector<16xi32>
    %lt3A_247 = arith.cmpi slt, %iota3A, %lt3A_246 : vector<16xi32>
    %jit3A_248 = arith.constant 0.000000e+00 : f32
    %broadcast_in_dim3A_249 = vector.broadcast %jit3A_248 : f32 to vector<16xf32>
    %select_n3A_250 = arith.select %lt3A_247, %add3A_244, %broadcast_in_dim3A_249 : vector<16xi1>, vector<16xf32>
    %swap3A_251 = arith.constant 7 : i32
    %swap3A_252 = arith.index_cast %swap3A_251 : i32 to index
    %swap3A_253 = arith.constant 0 : index
    %swap3A_254 = tpu.vector_load %arg7[%swap3A_252, %swap3A_253] {strides = array<i32>} : memref<8x16xf32, #tpu.memory_space<vmem>>, vector<1x16xf32>,
    %swap3A_255 = vector.shape_cast %swap3A_254 : vector<1x16xf32> to vector<16xf32>
    %swap3A_256 = vector.shape_cast %select_n3A_250 : vector<16xf32> to vector<1x16xf32>
    tpu.vector_store %arg7[%swap3A_252, %swap3A_253], %swap3A_256 {strides = array<i32>} : memref<8x16xf32, #tpu.memory_space<vmem>>, vector<1x16xf32>,
    "tpu.region"() ({
      %run_scoped3A = tpu.sem_alloc : memref<!tpu.dma_semaphore, #tpu.memory_space<semaphore_mem>>
      %dma_start3A_257 = arith.constant 0 : i32
      %dma_start3A_258 = tpu.memref_slice %arg4[%mul3A_2, %dma_start3A_257] : memref<256x16xf32, #tpu.memory_space<hbm>> -> memref<8x16xf32, #tpu.memory_space<hbm>>
      %dma_start3A_259 = arith.constant 0 : i32
      %dma_start3A_260 = tpu.memref_slice %arg4[%mul3A_2, %dma_start3A_259] : memref<256x16xf32, #tpu.memory_space<hbm>> -> memref<8x16xf32, #tpu.memory_space<hbm>>
      tpu.enqueue_dma source(%arg7 : memref<8x16xf32, #tpu.memory_space<vmem>>) target(%dma_start3A_260 : memref<8x16xf32, #tpu.memory_space<hbm>>) target_semaphore(%run_scoped3A : memref<!tpu.dma_semaphore, #tpu.memory_space<semaphore_mem>>)
      %dma_wait3A_261 = arith.constant 0 : i32
      %dma_wait3A_262 = tpu.memref_slice %arg4[%mul3A_2, %dma_wait3A_261] : memref<256x16xf32, #tpu.memory_space<hbm>> -> memref<8x16xf32, #tpu.memory_space<hbm>>
      %dma_wait3A_263 = arith.constant 0 : i32
      %dma_wait3A_264 = tpu.memref_slice %arg4[%mul3A_2, %dma_wait3A_263] : memref<256x16xf32, #tpu.memory_space<hbm>> -> memref<8x16xf32, #tpu.memory_space<hbm>>
      tpu.wait_dma2 semaphore(%run_scoped3A : memref<!tpu.dma_semaphore, #tpu.memory_space<semaphore_mem>>) src(%arg7 : memref<8x16xf32, #tpu.memory_space<vmem>>) dst(%dma_wait3A_264 : memref<8x16xf32, #tpu.memory_space<hbm>>)
      tpu.yield
    }) : () -> ()
    return
  }
}

module attributes {stable_mosaic.version = 14 : i64} {
  func.func @_nms_body(%arg0: memref<9x160x128xf32, #tpu.memory_space<vmem>>, %arg1: memref<200x16xf32, #tpu.memory_space<vmem>>, %arg2: memref<256x1xi32, #tpu.memory_space<vmem>>, %arg3: memref<5x160x128xf32, #tpu.memory_space<vmem>>, %arg4: memref<160x128xf32, #tpu.memory_space<vmem>>) attributes {dimension_semantics = [], scalar_prefetch = 0 : i64, scratch_operands = 2 : i64, tpu.core_type = #tpu.core_type<tc>} {
    %get3A = arith.constant 0 : index
    %get3A_0 = arith.constant 0 : index
    %get3A_1 = arith.constant 0 : index
    %get3A_2 = vector.load %arg0[%get3A, %get3A_0, %get3A_1] : memref<9x160x128xf32, #tpu.memory_space<vmem>>, vector<1x160x128xf32>
    %get3A_3 = vector.shape_cast %get3A_2 : vector<1x160x128xf32> to vector<160x128xf32>
    %get3A_4 = arith.constant 1 : index
    %get3A_5 = arith.constant 0 : index
    %get3A_6 = arith.constant 0 : index
    %get3A_7 = vector.load %arg0[%get3A_4, %get3A_5, %get3A_6] : memref<9x160x128xf32, #tpu.memory_space<vmem>>, vector<1x160x128xf32>
    %get3A_8 = vector.shape_cast %get3A_7 : vector<1x160x128xf32> to vector<160x128xf32>
    %mul3A = arith.constant 1.000000e-01 : f32
    %mul3A_9 = vector.broadcast %mul3A : f32 to vector<160x128xf32>
    %mul3A_10 = arith.mulf %get3A_8, %mul3A_9 : vector<160x128xf32>
    %get3A_11 = arith.constant 2 : index
    %get3A_12 = arith.constant 0 : index
    %get3A_13 = arith.constant 0 : index
    %get3A_14 = vector.load %arg0[%get3A_11, %get3A_12, %get3A_13] : memref<9x160x128xf32, #tpu.memory_space<vmem>>, vector<1x160x128xf32>
    %get3A_15 = vector.shape_cast %get3A_14 : vector<1x160x128xf32> to vector<160x128xf32>
    %mul3A_16 = arith.constant 1.000000e-01 : f32
    %mul3A_17 = vector.broadcast %mul3A_16 : f32 to vector<160x128xf32>
    %mul3A_18 = arith.mulf %get3A_15, %mul3A_17 : vector<160x128xf32>
    %get3A_19 = arith.constant 3 : index
    %get3A_20 = arith.constant 0 : index
    %get3A_21 = arith.constant 0 : index
    %get3A_22 = vector.load %arg0[%get3A_19, %get3A_20, %get3A_21] : memref<9x160x128xf32, #tpu.memory_space<vmem>>, vector<1x160x128xf32>
    %get3A_23 = vector.shape_cast %get3A_22 : vector<1x160x128xf32> to vector<160x128xf32>
    %mul3A_24 = arith.constant 2.000000e-01 : f32
    %mul3A_25 = vector.broadcast %mul3A_24 : f32 to vector<160x128xf32>
    %mul3A_26 = arith.mulf %get3A_23, %mul3A_25 : vector<160x128xf32>
    %get3A_27 = arith.constant 4 : index
    %get3A_28 = arith.constant 0 : index
    %get3A_29 = arith.constant 0 : index
    %get3A_30 = vector.load %arg0[%get3A_27, %get3A_28, %get3A_29] : memref<9x160x128xf32, #tpu.memory_space<vmem>>, vector<1x160x128xf32>
    %get3A_31 = vector.shape_cast %get3A_30 : vector<1x160x128xf32> to vector<160x128xf32>
    %mul3A_32 = arith.constant 2.000000e-01 : f32
    %mul3A_33 = vector.broadcast %mul3A_32 : f32 to vector<160x128xf32>
    %mul3A_34 = arith.mulf %get3A_31, %mul3A_33 : vector<160x128xf32>
    %get3A_35 = arith.constant 5 : index
    %get3A_36 = arith.constant 0 : index
    %get3A_37 = arith.constant 0 : index
    %get3A_38 = vector.load %arg0[%get3A_35, %get3A_36, %get3A_37] : memref<9x160x128xf32, #tpu.memory_space<vmem>>, vector<1x160x128xf32>
    %get3A_39 = vector.shape_cast %get3A_38 : vector<1x160x128xf32> to vector<160x128xf32>
    %get3A_40 = arith.constant 6 : index
    %get3A_41 = arith.constant 0 : index
    %get3A_42 = arith.constant 0 : index
    %get3A_43 = vector.load %arg0[%get3A_40, %get3A_41, %get3A_42] : memref<9x160x128xf32, #tpu.memory_space<vmem>>, vector<1x160x128xf32>
    %get3A_44 = vector.shape_cast %get3A_43 : vector<1x160x128xf32> to vector<160x128xf32>
    %get3A_45 = arith.constant 7 : index
    %get3A_46 = arith.constant 0 : index
    %get3A_47 = arith.constant 0 : index
    %get3A_48 = vector.load %arg0[%get3A_45, %get3A_46, %get3A_47] : memref<9x160x128xf32, #tpu.memory_space<vmem>>, vector<1x160x128xf32>
    %get3A_49 = vector.shape_cast %get3A_48 : vector<1x160x128xf32> to vector<160x128xf32>
    %get3A_50 = arith.constant 8 : index
    %get3A_51 = arith.constant 0 : index
    %get3A_52 = arith.constant 0 : index
    %get3A_53 = vector.load %arg0[%get3A_50, %get3A_51, %get3A_52] : memref<9x160x128xf32, #tpu.memory_space<vmem>>, vector<1x160x128xf32>
    %get3A_54 = vector.shape_cast %get3A_53 : vector<1x160x128xf32> to vector<160x128xf32>
    %mul3A_55 = arith.mulf %mul3A_10, %get3A_49 : vector<160x128xf32>
    %add3A = arith.addf %mul3A_55, %get3A_39 : vector<160x128xf32>
    %mul3A_56 = arith.mulf %mul3A_18, %get3A_54 : vector<160x128xf32>
    %add3A_57 = arith.addf %mul3A_56, %get3A_44 : vector<160x128xf32>
    %exp3A = math.exp %mul3A_26 : vector<160x128xf32>
    %mul3A_58 = arith.mulf %exp3A, %get3A_49 : vector<160x128xf32>
    %exp3A_59 = math.exp %mul3A_34 : vector<160x128xf32>
    %mul3A_60 = arith.mulf %exp3A_59, %get3A_54 : vector<160x128xf32>
    %div3A = arith.constant 2.000000e+00 : f32
    %div3A_61 = vector.broadcast %div3A : f32 to vector<160x128xf32>
    %div3A_62 = arith.divf %mul3A_60, %div3A_61 : vector<160x128xf32>
    %sub3A = arith.subf %add3A_57, %div3A_62 : vector<160x128xf32>
    %div3A_63 = arith.constant 2.000000e+00 : f32
    %div3A_64 = vector.broadcast %div3A_63 : f32 to vector<160x128xf32>
    %div3A_65 = arith.divf %mul3A_58, %div3A_64 : vector<160x128xf32>
    %sub3A_66 = arith.subf %add3A, %div3A_65 : vector<160x128xf32>
    %div3A_67 = arith.constant 2.000000e+00 : f32
    %div3A_68 = vector.broadcast %div3A_67 : f32 to vector<160x128xf32>
    %div3A_69 = arith.divf %mul3A_60, %div3A_68 : vector<160x128xf32>
    %add3A_70 = arith.addf %add3A_57, %div3A_69 : vector<160x128xf32>
    %div3A_71 = arith.constant 2.000000e+00 : f32
    %div3A_72 = vector.broadcast %div3A_71 : f32 to vector<160x128xf32>
    %div3A_73 = arith.divf %mul3A_58, %div3A_72 : vector<160x128xf32>
    %add3A_74 = arith.addf %add3A, %div3A_73 : vector<160x128xf32>
    %swap3A = arith.constant 0 : index
    %swap3A_75 = arith.constant 0 : index
    %swap3A_76 = arith.constant 0 : index
    %swap3A_77 = vector.load %arg3[%swap3A, %swap3A_75, %swap3A_76] : memref<5x160x128xf32, #tpu.memory_space<vmem>>, vector<1x160x128xf32>
    %swap3A_78 = vector.shape_cast %swap3A_77 : vector<1x160x128xf32> to vector<160x128xf32>
    %swap3A_79 = vector.shape_cast %sub3A : vector<160x128xf32> to vector<1x160x128xf32>
    tpu.vector_store %arg3[%swap3A, %swap3A_75, %swap3A_76], %swap3A_79 {strides = array<i32>} : memref<5x160x128xf32, #tpu.memory_space<vmem>>, vector<1x160x128xf32>,
    %swap3A_80 = arith.constant 1 : index
    %swap3A_81 = arith.constant 0 : index
    %swap3A_82 = arith.constant 0 : index
    %swap3A_83 = vector.load %arg3[%swap3A_80, %swap3A_81, %swap3A_82] : memref<5x160x128xf32, #tpu.memory_space<vmem>>, vector<1x160x128xf32>
    %swap3A_84 = vector.shape_cast %swap3A_83 : vector<1x160x128xf32> to vector<160x128xf32>
    %swap3A_85 = vector.shape_cast %sub3A_66 : vector<160x128xf32> to vector<1x160x128xf32>
    tpu.vector_store %arg3[%swap3A_80, %swap3A_81, %swap3A_82], %swap3A_85 {strides = array<i32>} : memref<5x160x128xf32, #tpu.memory_space<vmem>>, vector<1x160x128xf32>,
    %swap3A_86 = arith.constant 2 : index
    %swap3A_87 = arith.constant 0 : index
    %swap3A_88 = arith.constant 0 : index
    %swap3A_89 = vector.load %arg3[%swap3A_86, %swap3A_87, %swap3A_88] : memref<5x160x128xf32, #tpu.memory_space<vmem>>, vector<1x160x128xf32>
    %swap3A_90 = vector.shape_cast %swap3A_89 : vector<1x160x128xf32> to vector<160x128xf32>
    %swap3A_91 = vector.shape_cast %add3A_70 : vector<160x128xf32> to vector<1x160x128xf32>
    tpu.vector_store %arg3[%swap3A_86, %swap3A_87, %swap3A_88], %swap3A_91 {strides = array<i32>} : memref<5x160x128xf32, #tpu.memory_space<vmem>>, vector<1x160x128xf32>,
    %swap3A_92 = arith.constant 3 : index
    %swap3A_93 = arith.constant 0 : index
    %swap3A_94 = arith.constant 0 : index
    %swap3A_95 = vector.load %arg3[%swap3A_92, %swap3A_93, %swap3A_94] : memref<5x160x128xf32, #tpu.memory_space<vmem>>, vector<1x160x128xf32>
    %swap3A_96 = vector.shape_cast %swap3A_95 : vector<1x160x128xf32> to vector<160x128xf32>
    %swap3A_97 = vector.shape_cast %add3A_74 : vector<160x128xf32> to vector<1x160x128xf32>
    tpu.vector_store %arg3[%swap3A_92, %swap3A_93, %swap3A_94], %swap3A_97 {strides = array<i32>} : memref<5x160x128xf32, #tpu.memory_space<vmem>>, vector<1x160x128xf32>,
    %sub3A_98 = arith.subf %add3A_70, %sub3A : vector<160x128xf32>
    %sub3A_99 = arith.subf %add3A_74, %sub3A_66 : vector<160x128xf32>
    %mul3A_100 = arith.mulf %sub3A_98, %sub3A_99 : vector<160x128xf32>
    %swap3A_101 = arith.constant 4 : index
    %swap3A_102 = arith.constant 0 : index
    %swap3A_103 = arith.constant 0 : index
    %swap3A_104 = vector.load %arg3[%swap3A_101, %swap3A_102, %swap3A_103] : memref<5x160x128xf32, #tpu.memory_space<vmem>>, vector<1x160x128xf32>
    %swap3A_105 = vector.shape_cast %swap3A_104 : vector<1x160x128xf32> to vector<160x128xf32>
    %swap3A_106 = vector.shape_cast %mul3A_100 : vector<160x128xf32> to vector<1x160x128xf32>
    tpu.vector_store %arg3[%swap3A_101, %swap3A_102, %swap3A_103], %swap3A_106 {strides = array<i32>} : memref<5x160x128xf32, #tpu.memory_space<vmem>>, vector<1x160x128xf32>,
    %ge3A = arith.constant 4.000000e-01 : f32
    %ge3A_107 = vector.broadcast %ge3A : f32 to vector<160x128xf32>
    %ge3A_108 = arith.cmpf oge, %get3A_3, %ge3A_107 : vector<160x128xf32>
    %jit3A = arith.constant 0xFF800000 : f32
    %broadcast_in_dim3A = vector.broadcast %jit3A : f32 to vector<160x128xf32>
    %select_n3A = arith.select %ge3A_108, %get3A_3, %broadcast_in_dim3A : vector<160x128xi1>, vector<160x128xf32>
    %swap3A_109 = arith.constant 0 : index
    %swap3A_110 = arith.constant 0 : index
    %swap3A_111 = vector.load %arg4[%swap3A_109, %swap3A_110] : memref<160x128xf32, #tpu.memory_space<vmem>>, vector<160x128xf32>
    tpu.vector_store %arg4[%swap3A_109, %swap3A_110], %select_n3A {strides = array<i32>} : memref<160x128xf32, #tpu.memory_space<vmem>>, vector<160x128xf32>,
    %broadcast_in_dim3A_112 = arith.constant 20479 : i32
    %broadcast_in_dim3A_113 = vector.broadcast %broadcast_in_dim3A_112 : i32 to vector<256x1xi32>
    %swap3A_114 = arith.constant 0 : index
    %swap3A_115 = arith.constant 0 : index
    %swap3A_116 = vector.load %arg2[%swap3A_114, %swap3A_115] : memref<256x1xi32, #tpu.memory_space<vmem>>, vector<256x1xi32>
    tpu.vector_store %arg2[%swap3A_114, %swap3A_115], %broadcast_in_dim3A_113 {strides = array<i32>} : memref<256x1xi32, #tpu.memory_space<vmem>>, vector<256x1xi32>,
    %iota3A = tpu.iota {dimensions = array<i32: 0>} : vector<160x128xi32>
    %mul3A_117 = arith.constant 128 : i32
    %mul3A_118 = vector.broadcast %mul3A_117 : i32 to vector<160x128xi32>
    %mul3A_119 = arith.muli %iota3A, %mul3A_118 : vector<160x128xi32>
    %iota3A_120 = tpu.iota {dimensions = array<i32: 1>} : vector<160x128xi32>
    %add3A_121 = arith.addi %mul3A_119, %iota3A_120 : vector<160x128xi32>
    %iota3A_122 = tpu.iota {dimensions = array<i32: 1>} : vector<1x128xi32>
    %iota3A_123 = tpu.iota {dimensions = array<i32: 1>} : vector<1x16xi32>
    %scan3A = arith.constant 0 : i32
    %scan3A_124 = arith.constant 200 : i32
    %scan3A_125 = arith.addi %scan3A, %scan3A_124 : i32
    %scan3A_126 = arith.constant 1 : i32
    scf.for %scan3A_128 = %scan3A to %scan3A_125 step %scan3A_126  : i32 {
      %get3A_129 = arith.constant 0 : index
      %get3A_130 = arith.constant 0 : index
      %get3A_131 = vector.load %arg4[%get3A_129, %get3A_130] : memref<160x128xf32, #tpu.memory_space<vmem>>, vector<160x128xf32>
      %reduce_max3A = vector.shape_cast %get3A_131 : vector<160x128xf32> to vector<1x160x128xf32>
      %reduce_max3A_132 = arith.constant dense<0xFF800000> : vector<1xf32>
      %reduce_max3A_133 = vector.multi_reduction <maximumf>, %reduce_max3A, %reduce_max3A_132 [1, 2] : vector<1x160x128xf32> to vector<1xf32>
      %reduce_max3A_134 = vector.shape_cast %reduce_max3A_133 : vector<1xf32> to vector<1x1x1xf32>
      %reduce_max3A_135 = vector.extract %reduce_max3A_134[0, 0, 0] : f32 from vector<1x1x1xf32>
      %gt3A = arith.constant 0xFF800000 : f32
      %gt3A_136 = arith.cmpf ogt, %reduce_max3A_135, %gt3A : f32
      %eq3A = vector.broadcast %reduce_max3A_135 : f32 to vector<160x128xf32>
      %eq3A_137 = arith.cmpf oeq, %get3A_131, %eq3A : vector<160x128xf32>
      %jit3A_138 = arith.constant 2147483647 : i32
      %broadcast_in_dim3A_139 = vector.broadcast %jit3A_138 : i32 to vector<160x128xi32>
      %select_n3A_140 = arith.select %eq3A_137, %add3A_121, %broadcast_in_dim3A_139 : vector<160x128xi1>, vector<160x128xi32>
      %reduce_min3A = vector.shape_cast %select_n3A_140 : vector<160x128xi32> to vector<1x160x128xi32>
      %reduce_min3A_141 = arith.constant dense<2147483647> : vector<1xi32>
      %reduce_min3A_142 = vector.multi_reduction <minsi>, %reduce_min3A, %reduce_min3A_141 [1, 2] : vector<1x160x128xi32> to vector<1xi32>
      %reduce_min3A_143 = vector.shape_cast %reduce_min3A_142 : vector<1xi32> to vector<1x1x1xi32>
      %reduce_min3A_144 = vector.extract %reduce_min3A_143[0, 0, 0] : i32 from vector<1x1x1xi32>
      %jit3A_145 = arith.constant 128 : i32
      %div3A_146 = arith.divsi %reduce_min3A_144, %jit3A_145 : i32
      %sign3A = arith.constant 0 : i32
      %sign3A_147 = arith.cmpi sgt, %reduce_min3A_144, %sign3A : i32
      %sign3A_148 = arith.extui %sign3A_147 : i1 to i32
      %sign3A_149 = arith.constant 0 : i32
      %sign3A_150 = arith.cmpi slt, %reduce_min3A_144, %sign3A_149 : i32
      %sign3A_151 = arith.extui %sign3A_150 : i1 to i32
      %sign3A_152 = arith.subi %sign3A_148, %sign3A_151 : i32
      %sign3A_153 = arith.constant 0 : i32
      %sign3A_154 = arith.cmpi sgt, %jit3A_145, %sign3A_153 : i32
      %sign3A_155 = arith.extui %sign3A_154 : i1 to i32
      %sign3A_156 = arith.constant 0 : i32
      %sign3A_157 = arith.cmpi slt, %jit3A_145, %sign3A_156 : i32
      %sign3A_158 = arith.extui %sign3A_157 : i1 to i32
      %sign3A_159 = arith.subi %sign3A_155, %sign3A_158 : i32
      %ne3A = arith.cmpi ne, %sign3A_152, %sign3A_159 : i32
      %rem3A = arith.remsi %reduce_min3A_144, %jit3A_145 : i32
      %ne3A_160 = arith.constant 0 : i32
      %ne3A_161 = arith.cmpi ne, %rem3A, %ne3A_160 : i32
      %and3A = arith.andi %ne3A, %ne3A_161 : i1
      %sub3A_162 = arith.constant 1 : i32
      %sub3A_163 = arith.subi %div3A_146, %sub3A_162 : i32
      %select_n3A_164 = arith.select %and3A, %sub3A_163, %div3A_146 : i32
      %mul3A_165 = arith.constant 128 : i32
      %mul3A_166 = arith.muli %select_n3A_164, %mul3A_165 : i32
      %sub3A_167 = arith.subi %reduce_min3A_144, %mul3A_166 : i32
      %eq3A_168 = vector.broadcast %sub3A_167 : i32 to vector<1x128xi32>
      %eq3A_169 = arith.cmpi eq, %iota3A_122, %eq3A_168 : vector<1x128xi32>
      %get3A_170 = arith.constant 0 : index
      %get3A_171 = arith.index_cast %select_n3A_164 : i32 to index
      %get3A_172 = arith.constant 0 : index
      %get3A_173 = vector.load %arg3[%get3A_170, %get3A_171, %get3A_172] : memref<5x160x128xf32, #tpu.memory_space<vmem>>, vector<1x1x128xf32>
      %get3A_174 = vector.shape_cast %get3A_173 : vector<1x1x128xf32> to vector<1x128xf32>
      %jit3A_175 = arith.constant 0.000000e+00 : f32
      %broadcast_in_dim3A_176 = vector.broadcast %jit3A_175 : f32 to vector<1x128xf32>
      %select_n3A_177 = arith.select %eq3A_169, %get3A_174, %broadcast_in_dim3A_176 : vector<1x128xi1>, vector<1x128xf32>
      %reduce_sum3A = vector.shape_cast %select_n3A_177 : vector<1x128xf32> to vector<1x1x128xf32>
      %reduce_sum3A_178 = arith.constant dense<0.000000e+00> : vector<1xf32>
      %reduce_sum3A_179 = vector.multi_reduction <add>, %reduce_sum3A, %reduce_sum3A_178 [1, 2] : vector<1x1x128xf32> to vector<1xf32>
      %reduce_sum3A_180 = vector.shape_cast %reduce_sum3A_179 : vector<1xf32> to vector<1x1x1xf32>
      %reduce_sum3A_181 = vector.extract %reduce_sum3A_180[0, 0, 0] : f32 from vector<1x1x1xf32>
      %get3A_182 = arith.constant 1 : index
      %get3A_183 = arith.index_cast %select_n3A_164 : i32 to index
      %get3A_184 = arith.constant 0 : index
      %get3A_185 = vector.load %arg3[%get3A_182, %get3A_183, %get3A_184] : memref<5x160x128xf32, #tpu.memory_space<vmem>>, vector<1x1x128xf32>
      %get3A_186 = vector.shape_cast %get3A_185 : vector<1x1x128xf32> to vector<1x128xf32>
      %jit3A_187 = arith.constant 0.000000e+00 : f32
      %broadcast_in_dim3A_188 = vector.broadcast %jit3A_187 : f32 to vector<1x128xf32>
      %select_n3A_189 = arith.select %eq3A_169, %get3A_186, %broadcast_in_dim3A_188 : vector<1x128xi1>, vector<1x128xf32>
      %reduce_sum3A_190 = vector.shape_cast %select_n3A_189 : vector<1x128xf32> to vector<1x1x128xf32>
      %reduce_sum3A_191 = arith.constant dense<0.000000e+00> : vector<1xf32>
      %reduce_sum3A_192 = vector.multi_reduction <add>, %reduce_sum3A_190, %reduce_sum3A_191 [1, 2] : vector<1x1x128xf32> to vector<1xf32>
      %reduce_sum3A_193 = vector.shape_cast %reduce_sum3A_192 : vector<1xf32> to vector<1x1x1xf32>
      %reduce_sum3A_194 = vector.extract %reduce_sum3A_193[0, 0, 0] : f32 from vector<1x1x1xf32>
      %get3A_195 = arith.constant 2 : index
      %get3A_196 = arith.index_cast %select_n3A_164 : i32 to index
      %get3A_197 = arith.constant 0 : index
      %get3A_198 = vector.load %arg3[%get3A_195, %get3A_196, %get3A_197] : memref<5x160x128xf32, #tpu.memory_space<vmem>>, vector<1x1x128xf32>
      %get3A_199 = vector.shape_cast %get3A_198 : vector<1x1x128xf32> to vector<1x128xf32>
      %jit3A_200 = arith.constant 0.000000e+00 : f32
      %broadcast_in_dim3A_201 = vector.broadcast %jit3A_200 : f32 to vector<1x128xf32>
      %select_n3A_202 = arith.select %eq3A_169, %get3A_199, %broadcast_in_dim3A_201 : vector<1x128xi1>, vector<1x128xf32>
      %reduce_sum3A_203 = vector.shape_cast %select_n3A_202 : vector<1x128xf32> to vector<1x1x128xf32>
      %reduce_sum3A_204 = arith.constant dense<0.000000e+00> : vector<1xf32>
      %reduce_sum3A_205 = vector.multi_reduction <add>, %reduce_sum3A_203, %reduce_sum3A_204 [1, 2] : vector<1x1x128xf32> to vector<1xf32>
      %reduce_sum3A_206 = vector.shape_cast %reduce_sum3A_205 : vector<1xf32> to vector<1x1x1xf32>
      %reduce_sum3A_207 = vector.extract %reduce_sum3A_206[0, 0, 0] : f32 from vector<1x1x1xf32>
      %get3A_208 = arith.constant 3 : index
      %get3A_209 = arith.index_cast %select_n3A_164 : i32 to index
      %get3A_210 = arith.constant 0 : index
      %get3A_211 = vector.load %arg3[%get3A_208, %get3A_209, %get3A_210] : memref<5x160x128xf32, #tpu.memory_space<vmem>>, vector<1x1x128xf32>
      %get3A_212 = vector.shape_cast %get3A_211 : vector<1x1x128xf32> to vector<1x128xf32>
      %jit3A_213 = arith.constant 0.000000e+00 : f32
      %broadcast_in_dim3A_214 = vector.broadcast %jit3A_213 : f32 to vector<1x128xf32>
      %select_n3A_215 = arith.select %eq3A_169, %get3A_212, %broadcast_in_dim3A_214 : vector<1x128xi1>, vector<1x128xf32>
      %reduce_sum3A_216 = vector.shape_cast %select_n3A_215 : vector<1x128xf32> to vector<1x1x128xf32>
      %reduce_sum3A_217 = arith.constant dense<0.000000e+00> : vector<1xf32>
      %reduce_sum3A_218 = vector.multi_reduction <add>, %reduce_sum3A_216, %reduce_sum3A_217 [1, 2] : vector<1x1x128xf32> to vector<1xf32>
      %reduce_sum3A_219 = vector.shape_cast %reduce_sum3A_218 : vector<1xf32> to vector<1x1x1xf32>
      %reduce_sum3A_220 = vector.extract %reduce_sum3A_219[0, 0, 0] : f32 from vector<1x1x1xf32>
      %sub3A_221 = arith.subf %reduce_sum3A_207, %reduce_sum3A_181 : f32
      %sub3A_222 = arith.subf %reduce_sum3A_220, %reduce_sum3A_194 : f32
      %mul3A_223 = arith.mulf %sub3A_221, %sub3A_222 : f32
      %get3A_224 = arith.constant 0 : index
      %get3A_225 = arith.constant 0 : index
      %get3A_226 = arith.constant 0 : index
      %get3A_227 = vector.load %arg3[%get3A_224, %get3A_225, %get3A_226] : memref<5x160x128xf32, #tpu.memory_space<vmem>>, vector<1x160x128xf32>
      %get3A_228 = vector.shape_cast %get3A_227 : vector<1x160x128xf32> to vector<160x128xf32>
      %max3A = vector.broadcast %reduce_sum3A_181 : f32 to vector<160x128xf32>
      %max3A_229 = arith.maximumf %max3A, %get3A_228 : vector<160x128xf32>
      %get3A_230 = arith.constant 1 : index
      %get3A_231 = arith.constant 0 : index
      %get3A_232 = arith.constant 0 : index
      %get3A_233 = vector.load %arg3[%get3A_230, %get3A_231, %get3A_232] : memref<5x160x128xf32, #tpu.memory_space<vmem>>, vector<1x160x128xf32>
      %get3A_234 = vector.shape_cast %get3A_233 : vector<1x160x128xf32> to vector<160x128xf32>
      %max3A_235 = vector.broadcast %reduce_sum3A_194 : f32 to vector<160x128xf32>
      %max3A_236 = arith.maximumf %max3A_235, %get3A_234 : vector<160x128xf32>
      %get3A_237 = arith.constant 2 : index
      %get3A_238 = arith.constant 0 : index
      %get3A_239 = arith.constant 0 : index
      %get3A_240 = vector.load %arg3[%get3A_237, %get3A_238, %get3A_239] : memref<5x160x128xf32, #tpu.memory_space<vmem>>, vector<1x160x128xf32>
      %get3A_241 = vector.shape_cast %get3A_240 : vector<1x160x128xf32> to vector<160x128xf32>
      %min3A = vector.broadcast %reduce_sum3A_207 : f32 to vector<160x128xf32>
      %min3A_242 = arith.minimumf %min3A, %get3A_241 : vector<160x128xf32>
      %get3A_243 = arith.constant 3 : index
      %get3A_244 = arith.constant 0 : index
      %get3A_245 = arith.constant 0 : index
      %get3A_246 = vector.load %arg3[%get3A_243, %get3A_244, %get3A_245] : memref<5x160x128xf32, #tpu.memory_space<vmem>>, vector<1x160x128xf32>
      %get3A_247 = vector.shape_cast %get3A_246 : vector<1x160x128xf32> to vector<160x128xf32>
      %min3A_248 = vector.broadcast %reduce_sum3A_220 : f32 to vector<160x128xf32>
      %min3A_249 = arith.minimumf %min3A_248, %get3A_247 : vector<160x128xf32>
      %sub3A_250 = arith.subf %min3A_242, %max3A_229 : vector<160x128xf32>
      %max3A_251 = arith.constant 0.000000e+00 : f32
      %max3A_252 = vector.broadcast %max3A_251 : f32 to vector<160x128xf32>
      %max3A_253 = arith.maximumf %sub3A_250, %max3A_252 : vector<160x128xf32>
      %sub3A_254 = arith.subf %min3A_249, %max3A_236 : vector<160x128xf32>
      %max3A_255 = arith.constant 0.000000e+00 : f32
      %max3A_256 = vector.broadcast %max3A_255 : f32 to vector<160x128xf32>
      %max3A_257 = arith.maximumf %sub3A_254, %max3A_256 : vector<160x128xf32>
      %mul3A_258 = arith.mulf %max3A_253, %max3A_257 : vector<160x128xf32>
      %get3A_259 = arith.constant 4 : index
      %get3A_260 = arith.constant 0 : index
      %get3A_261 = arith.constant 0 : index
      %get3A_262 = vector.load %arg3[%get3A_259, %get3A_260, %get3A_261] : memref<5x160x128xf32, #tpu.memory_space<vmem>>, vector<1x160x128xf32>
      %get3A_263 = vector.shape_cast %get3A_262 : vector<1x160x128xf32> to vector<160x128xf32>
      %add3A_264 = vector.broadcast %mul3A_223 : f32 to vector<160x128xf32>
      %add3A_265 = arith.addf %add3A_264, %get3A_263 : vector<160x128xf32>
      %sub3A_266 = arith.subf %add3A_265, %mul3A_258 : vector<160x128xf32>
      %add3A_267 = arith.constant 9.99999993E-9 : f32
      %add3A_268 = vector.broadcast %add3A_267 : f32 to vector<160x128xf32>
      %add3A_269 = arith.addf %sub3A_266, %add3A_268 : vector<160x128xf32>
      %div3A_270 = arith.divf %mul3A_258, %add3A_269 : vector<160x128xf32>
      %gt3A_271 = arith.constant 4.000000e-01 : f32
      %gt3A_272 = vector.broadcast %gt3A_271 : f32 to vector<160x128xf32>
      %gt3A_273 = arith.cmpf ogt, %div3A_270, %gt3A_272 : vector<160x128xf32>
      %eq3A_274 = vector.broadcast %reduce_min3A_144 : i32 to vector<160x128xi32>
      %eq3A_275 = arith.cmpi eq, %add3A_121, %eq3A_274 : vector<160x128xi32>
      %or3A = arith.ori %gt3A_273, %eq3A_275 : vector<160x128xi1>
      %jit3A_276 = arith.constant 0xFF800000 : f32
      %broadcast_in_dim3A_277 = vector.broadcast %jit3A_276 : f32 to vector<160x128xf32>
      %select_n3A_278 = arith.select %or3A, %broadcast_in_dim3A_277, %get3A_131 : vector<160x128xi1>, vector<160x128xf32>
      %swap3A_279 = arith.constant 0 : index
      %swap3A_280 = arith.constant 0 : index
      %swap3A_281 = vector.load %arg4[%swap3A_279, %swap3A_280] : memref<160x128xf32, #tpu.memory_space<vmem>>, vector<160x128xf32>
      tpu.vector_store %arg4[%swap3A_279, %swap3A_280], %select_n3A_278 {strides = array<i32>} : memref<160x128xf32, #tpu.memory_space<vmem>>, vector<160x128xf32>,
      %jit3A_282 = arith.constant 1.000000e+00 : f32
      %jit3A_283 = arith.constant 0.000000e+00 : f32
      %select_n3A_284 = arith.select %gt3A_136, %jit3A_282, %jit3A_283 : f32
      %broadcast_in_dim3A_285 = arith.constant 0.000000e+00 : f32
      %broadcast_in_dim3A_286 = vector.broadcast %broadcast_in_dim3A_285 : f32 to vector<1x16xf32>
      %eq3A_287 = arith.constant 0 : i32
      %eq3A_288 = vector.broadcast %eq3A_287 : i32 to vector<1x16xi32>
      %eq3A_289 = arith.cmpi eq, %iota3A_123, %eq3A_288 : vector<1x16xi32>
      %broadcast_in_dim3A_290 = vector.broadcast %reduce_sum3A_181 : f32 to vector<1x16xf32>
      %select_n3A_291 = arith.select %eq3A_289, %broadcast_in_dim3A_290, %broadcast_in_dim3A_286 : vector<1x16xi1>, vector<1x16xf32>
      %eq3A_292 = arith.constant 1 : i32
      %eq3A_293 = vector.broadcast %eq3A_292 : i32 to vector<1x16xi32>
      %eq3A_294 = arith.cmpi eq, %iota3A_123, %eq3A_293 : vector<1x16xi32>
      %broadcast_in_dim3A_295 = vector.broadcast %reduce_sum3A_194 : f32 to vector<1x16xf32>
      %select_n3A_296 = arith.select %eq3A_294, %broadcast_in_dim3A_295, %select_n3A_291 : vector<1x16xi1>, vector<1x16xf32>
      %eq3A_297 = arith.constant 2 : i32
      %eq3A_298 = vector.broadcast %eq3A_297 : i32 to vector<1x16xi32>
      %eq3A_299 = arith.cmpi eq, %iota3A_123, %eq3A_298 : vector<1x16xi32>
      %broadcast_in_dim3A_300 = vector.broadcast %reduce_sum3A_207 : f32 to vector<1x16xf32>
      %select_n3A_301 = arith.select %eq3A_299, %broadcast_in_dim3A_300, %select_n3A_296 : vector<1x16xi1>, vector<1x16xf32>
      %eq3A_302 = arith.constant 3 : i32
      %eq3A_303 = vector.broadcast %eq3A_302 : i32 to vector<1x16xi32>
      %eq3A_304 = arith.cmpi eq, %iota3A_123, %eq3A_303 : vector<1x16xi32>
      %broadcast_in_dim3A_305 = vector.broadcast %reduce_sum3A_220 : f32 to vector<1x16xf32>
      %select_n3A_306 = arith.select %eq3A_304, %broadcast_in_dim3A_305, %select_n3A_301 : vector<1x16xi1>, vector<1x16xf32>
      %mul3A_307 = vector.broadcast %select_n3A_284 : f32 to vector<1x16xf32>
      %mul3A_308 = arith.mulf %select_n3A_306, %mul3A_307 : vector<1x16xf32>
      %swap3A_309 = arith.index_cast %scan3A_128 : i32 to index
      %swap3A_310 = arith.constant 0 : index
      %swap3A_311 = vector.load %arg1[%swap3A_309, %swap3A_310] : memref<200x16xf32, #tpu.memory_space<vmem>>, vector<1x16xf32>
      tpu.vector_store %arg1[%swap3A_309, %swap3A_310], %mul3A_308 {strides = array<i32>} : memref<200x16xf32, #tpu.memory_space<vmem>>, vector<1x16xf32>,
      %jit3A_312 = arith.constant 20479 : i32
      %select_n3A_313 = arith.select %gt3A_136, %reduce_min3A_144, %jit3A_312 : i32
      %broadcast_in_dim3A_314 = arith.constant 0 : i32
      %broadcast_in_dim3A_315 = vector.broadcast %broadcast_in_dim3A_314 : i32 to vector<1x1xi32>
      %add3A_316 = vector.broadcast %select_n3A_313 : i32 to vector<1x1xi32>
      %add3A_317 = arith.addi %broadcast_in_dim3A_315, %add3A_316 : vector<1x1xi32>
      %swap3A_318 = arith.index_cast %scan3A_128 : i32 to index
      %swap3A_319 = arith.constant 0 : index
      %swap3A_320 = vector.load %arg2[%swap3A_318, %swap3A_319] : memref<256x1xi32, #tpu.memory_space<vmem>>, vector<1x1xi32>
      tpu.vector_store %arg2[%swap3A_318, %swap3A_319], %add3A_317 {strides = array<i32>} : memref<256x1xi32, #tpu.memory_space<vmem>>, vector<1x1xi32>,
    }
    %scan3A_127 = arith.constant 200 : i32
    return
  }
}

</mosaic_0001>

<sc_bundles>
// kernel: kernel.4.cloned.1.call-start
scs
__scs_entry_jumppad:
0x0: {  	(pc) =	sbr.rel $0x88, $3  }
0x1: {  	(tag) =	ssettag $0x0;
	lr =	simm.s32 $0x1  }
0x2: {  	[smem:$0x3F9D] =	sst lr;
	_ =	strace $0xD0000000  }
0x3: {  	_ = 	snop  }
0x4: {  	_ = 	snop  }
0x5: {  	_ = 	snop  }
0x6: {  	_ = 	snop  }
0x7: {  	_ = 	snop  }
__scs_overlays_trampoline_lowered:
0x8: {  	[smem:$0x3FAC] =	sst s0  }
0x9: {  	[smem:$0x3FAD] =	sst s1  }
0xa: {  	[smem:$0x3FAE] =	sst s2  }
0xb: {  	[smem:$0x3FAF] =	sst s3  }
0xc: {  	[smem:$0x3FB0] =	sst s4  }
0xd: {  	[smem:$0x3FB1] =	sst s5  }
0xe: {  	[smem:$0x3FB2] =	sst s6  }
0xf: {  	[smem:$0x3FB3] =	sst s7  }
0x10: {  	[smem:$0x3FB4] =	sst s8  }
0x11: {  	[smem:$0x3FB5] =	sst s9;
	s0 =	simm.s32 @!p0 $0x0  }
0x12: {  	s1 =	sld [smem:$0x3F9B];
	s0 =	simm.s32 @p0 $0x1  }
0x13: {  	[smem:$0x3FB6] =	sst s0;
	s0 =	simm.s32 @!p1 $0x0  }
0x14: {  	s2 =	sld [smem:$0x3F9A];
	s0 =	simm.s32 @p1 $0x1  }
0x15: {  	[smem:$0x3FB7] =	sst s0;
	s0 =	simm.s32 @!p2 $0x0  }
0x16: {  	s3 =	sld [smem:$0x3FDB];
	s0 =	simm.s32 @p2 $0x1  }
0x17: {  	s4 =	simm.s32 $0x1BF5;
	[smem:$0x3FB9] =	sst s0  }
0x18: {  	s0 =	sld [smem:$0x3F9C];
	_ =	swait.ge [sflag:s4], $0x0  }
0x19: {  	s7 =	sld [smem:$0x3F9D]  }
0x1a: {  	s8 =	sadd.s32 $0xFFFFE003, lr  }
0x1b: {  	s9 =	sadd.s32 $0xFFFFFEF7, lr;
	s5 =	simm.s32 $0xFFFFFFFF;
	p2 =	slt.u32 s8, $0xFFFFF086  }
0x1c: {  	p1 =	slt.u32 s9, $0xF7A;
	s5 =	simm.s32 @!p2 $0x0  }
0x1d: {  	s5 =	simm.s32 @p1 $0x1;
	p0 =	seq.s32 s7, s2  }
0x1e: {  	s7 =	smul.u32 @!p0 $0xF7A, s2;
	p2 =	seq.s32 @!p0 s5, $0x0  }
0x1f: {  	s9 =	smul.u32 $0xF7A, s1;
	s8 =	simm.s32 @!p0 $0x1BF5;
	p2 =	por !p2, p0  }
0x20: {  	[sflag:s8] =	ssyncset.s32 @!p0 $0xFFFFF086;
	s6 =	sadd.s32 @!p0 s3, s7;
	s7 =	simm.s32 @!p0 $0x108  }
0x21: {  	s3 =	sadd.s32 s3, s9;
	s6 =	sadd.s32 @!p0 $0x88, s6;
	s7 =	simm.s32 @p2 $0x1082  }
0x22: {  	[simem:s7], [sflag:s8] =	dma.local @!p0 [hbm:s6], $0xF7A  }
0x23: {  	s9 =	sor.u32 $0xD0000000, s2;
	s6 =	simm.s32 $0x108;
	_ =	swait.ge @!p0 [sflag:s8], $0x0  }
0x24: {  	s3 =	sadd.s32 $0x88, s3;
	s6 =	simm.s32 @!p1 $0x1082;
	[sflag:s4] =	ssyncset.s32 $0xFFFFF086  }
0x25: {  	[simem:s6], [sflag:s4] =	dma.local [hbm:s3], $0xF7A  }
0x26: {  	[smem:$0x3F9D] =	sst s1;
	(tag) =	ssettag s2;
	_ =	strace s9  }
0x27: {  	s1 =	sld [smem:$0x3FAD]  }
0x28: {  	s2 =	sld [smem:$0x3FAE]  }
0x29: {  	s4 =	sld [smem:$0x3FB0]  }
0x2a: {  	p0 =	seq.s32 s5, $0x0;
	s5 =	sld [smem:$0x3FB1]  }
0x2b: {  	s6 =	sld [smem:$0x3FB2]  }
0x2c: {  	s7 =	sld [smem:$0x3FB3]  }
0x2d: {  	s3 =	simm.s32 $0x108;
	s8 =	sld [smem:$0x3FB4]  }
0x2e: {  	s3 =	simm.s32 @!p0 $0x1082;
	s9 =	sld [smem:$0x3FB5]  }
0x2f: {  	lr =	sadd.s32 s0, s3;
	s0 =	sld [smem:$0x3FAC]  }
0x30: {  	s3 =	sld [smem:$0x3FAF]  }
0x31: {  	[smem:$0x3FB8] =	sst s10  }
0x32: {  	s10 =	sld [smem:$0x3FB6];
	_ =	sdelay $0x3  }
0x33: {  	p0 =	seq.s32 s10, $0x1;
	s10 =	sld [smem:$0x3FB8];
	_ =	sdelay $0x3  }
0x34: {  	[smem:$0x3FB8] =	sst s10  }
0x35: {  	s10 =	sld [smem:$0x3FB7];
	_ =	sdelay $0x3  }
0x36: {  	p1 =	seq.s32 s10, $0x1;
	s10 =	sld [smem:$0x3FB8];
	_ =	sdelay $0x3  }
0x37: {  	[smem:$0x3FB8] =	sst s10  }
0x38: {  	s10 =	sld [smem:$0x3FB9]  }
0x39: {  	_ = 	snop;
	(pc) =	sbr.ind lr, $3  }
0x3a: {  	_ = 	snop  }
0x3b: {  	_ = 	snop  }
0x3c: {  	p2 =	seq.s32 s10, $0x1;
	s10 =	sld [smem:$0x3FB8]  }
0x3d: {  	_ =	shalt  }
0x3e: {  	_ =	shalt  }
0x3f: {  	_ =	shalt  }
0x40: {  	_ =	shalt  }
0x41: {  	_ =	shalt  }
0x42: {  	_ =	shalt  }
0x43: {  	_ =	shalt  }
0x44: {  	_ =	shalt  }
0x45: {  	_ =	shalt  }
0x46: {  	_ =	shalt  }
0x47: {  	_ =	shalt  }
0x48: {  	_ =	shalt  }
0x49: {  	_ =	shalt  }
0x4a: {  	_ =	shalt  }
0x4b: {  	_ =	shalt  }
0x4c: {  	_ =	shalt  }
0x4d: {  	_ =	shalt  }
0x4e: {  	_ =	shalt  }
0x4f: {  	_ =	shalt  }
0x50: {  	_ =	shalt  }
0x51: {  	_ =	shalt  }
0x52: {  	_ =	shalt  }
0x53: {  	_ =	shalt  }
0x54: {  	_ =	shalt  }
0x55: {  	_ =	shalt  }
0x56: {  	_ =	shalt  }
0x57: {  	_ =	shalt  }
0x58: {  	_ =	shalt  }
0x59: {  	_ =	shalt  }
0x5a: {  	_ =	shalt  }
0x5b: {  	_ =	shalt  }
0x5c: {  	_ =	shalt  }
0x5d: {  	_ =	shalt  }
0x5e: {  	_ =	shalt  }
0x5f: {  	_ =	shalt  }
0x60: {  	_ =	shalt  }
0x61: {  	_ =	shalt  }
0x62: {  	_ =	shalt  }
0x63: {  	_ =	shalt  }
0x64: {  	_ =	shalt  }
0x65: {  	_ =	shalt  }
0x66: {  	_ =	shalt  }
0x67: {  	_ =	shalt  }
0x68: {  	_ =	shalt  }
0x69: {  	_ =	shalt  }
0x6a: {  	_ =	shalt  }
0x6b: {  	_ =	shalt  }
0x6c: {  	_ =	shalt  }
0x6d: {  	_ =	shalt  }
0x6e: {  	_ =	shalt  }
0x6f: {  	_ =	shalt  }
0x70: {  	_ =	shalt  }
0x71: {  	_ =	shalt  }
0x72: {  	_ =	shalt  }
0x73: {  	_ =	shalt  }
0x74: {  	_ =	shalt  }
0x75: {  	_ =	shalt  }
0x76: {  	_ =	shalt  }
0x77: {  	_ =	shalt  }
0x78: {  	_ =	shalt  }
0x79: {  	_ =	shalt  }
0x7a: {  	_ =	shalt  }
0x7b: {  	_ =	shalt  }
0x7c: {  	_ =	shalt  }
0x7d: {  	_ =	shalt  }
0x7e: {  	_ =	shalt  }
0x7f: {  	_ =	shalt  }
0x80: {  	_ =	shalt  }
0x81: {  	_ =	shalt  }
0x82: {  	_ =	shalt  }
0x83: {  	_ =	shalt  }
0x84: {  	_ =	shalt  }
0x85: {  	_ =	shalt  }
0x86: {  	_ =	shalt  }
0x87: {  	_ =	shalt  }
.Lfunc_end0:
.L_simem_size_0:
called_computation_lowered:
.L_overlay_start_0:
0x88: {  	s2 =	sld [smem:$0x3FD9]  }
0x89: {  	s3 =	sld [smem:$0x3FFE];
	_ =	sdelay $0x1  }
0x8a: {  	s1 =	srdreg.scid  }
0x8b: {  	s0 =	sand.u32 $0x1, s1  }
0x8c: {  	s14 =	sshll.u32 s0, $0xA;
	s2 =	sadd.s32 s3, s2  }
0x8d: {  	s2 =	sadd.s32 s2, s14  }
0x8e: {  	[smem:$0x3FC4] =	sst s2  }
0x8f: {  	_ = 	snop  }
0x90: {  	s2 =	sld [smem:$0x3FD0];
	_ =	sdelay $0x2  }
0x91: {  	s15 =	simm.s32 $0xA;
	s4 =	simm.s32 $0x10  }
0x92: {  	[smem:s4], [sflag:s15] =	dma.local [hbm:s2], $0x1  }
0x93: {  	_ =	swait.eq [sflag:s15], $0x1  }
0x94: {  	[sflag:s15] =	ssyncset.done $0x0  }
0x95: {  	[sflag:s15] =	ssyncadd.s32 $0xFFFFFFFF  }
0x96: {  	s16 =	sld [smem:$0x11];
	(tm) =	ssettm $0x1  }
0x97: {  	s17 =	sld [smem:$0x3FFB];
	_ =	sdelay $0x3  }
0x98: {  	_ =	strace s17  }
0x99: {  	s3 =	sld [smem:$0x3FFC];
	_ =	sdelay $0x3  }
0x9a: {  	_ =	strace s3  }
0x9b: {  	s3 =	sld [smem:$0x3FFD];
	_ =	sdelay $0x3  }
0x9c: {  	_ =	strace s3  }
0x9d: {  	_ =	strace $0x8FFFFFFF  }
0x9e: {  	s18 =	sld [smem:$0x3FDB];
	_ =	sdelay $0x1  }
0x9f: {  	s19 =	simm.s32 $_scs_section_size  }
0xa0: {  	s5 =	simm.s32 $_size__tile_overlayer_lowered;
	s6 =	simm.s32 $_tile_overlayer_lowered  }
0xa1: {  	s22 =	simm.s32 $0x1BFF;
	s21 =	sshll.u32 s6, $0x1;
	s3 =	sadd.s32 s19, s18  }
0xa2: {  	s7 =	simm.s32 $0x0;
	s20 =	sshll.u32 s5, $0x1;
	s5 =	sadd.s32 s21, s3  }
0xa3: {  	[timem:s7], [sflag:s22] =	dma.local [hbm:s5], s20  }
0xa4: {  	_ =	swait.ge [sflag:s22], s20  }
0xa5: {  	s4 =	ssub.s32 $0x0, s20;
	[sflag:s22] =	ssyncset.done $0x0  }
0xa6: {  	[sflag:s22] =	ssyncadd.s32 s4;
	_ =	sdelay $0x1  }
0xa7: {  	s23 =	simm.s32 $0x1B8B  }
0xa8: {  	_ =	swait.ge [sflag:s23], $0x1  }
0xa9: {  	[sflag:s23] =	ssyncset.done $0x0  }
0xaa: {  	s25 =	simm.s32 $0x1B8E;
	s24 =	sld [smem:$0x3FFE];
	[sflag:s23] =	ssyncadd.s32 $0xFFFFFFFF  }
0xab: {  	s26 =	simm.s32 $execute0_lowered;
	[smem:$0x3FD2] =	sst s25  }
0xac: {  	s5 =	sshll.u32 s26, $0x1;
	_ =	strace $0x80000046;
	[dreg:$0x1] =	wrdreg $0xFFFFFFFF  }
0xad: {  	s28 =	simm.s32 $_size_execute0_lowered;
	s3 =	sadd.s32 s3, s5;
	[dreg:$0x0] =	wrdreg $0x0  }
0xae: {  	s5 =	sshll.u32 s28, $0x1;
	[dreg:$0x2] =	wrdreg s3  }
0xaf: {  	[dreg:$0x3] =	wrdreg s5  }
0xb0: {  	[dreg:$0x4] =	wrdreg $0xC0  }
0xb1: {  	_ =	task [dreg:s7], $0x5FFFF  }
0xb2: {  	[dreg:$0x1] =	wrdreg $0xFFFFFFFF  }
0xb3: {  	[dreg:$0x0] =	wrdreg $0x60  }
0xb4: {  	[dreg:$0x2] =	wrdreg s24  }
0xb5: {  	[dreg:$0x3] =	wrdreg s16  }
0xb6: {  	[dreg:$0x4] =	wrdreg $0x9  }
0xb7: {  	_ =	task.clear_ibuf [dreg:s7], $0x5FFFF;
	_ =	strace $0x90000046  }
0xb8: {  	s29 =	simm.s32 $0x9;
	_ =	strace $0x80000048  }
0xb9: {  	_ =	swait.ge [sflag:s29], $0x1  }
0xba: {  	[sflag:s29] =	ssyncadd.s32 $0xFFFFFFFF  }
0xbb: {  	_ =	strace $0x90000048  }
0xbc: {  	_ =	sfence  }
0xbd: {  	s30 =	sld [smem:$0x0];
	_ =	sdelay $0x2  }
0xbe: {  	s31 =	sshll.u32 s1, $0xD;
	s1 =	sshrl.u32 s1, $0x2  }
0xbf: {  	s3 =	sand.u32 $0x4000, s31;
	s1 =	sadd.s32 s1, s30  }
0xc0: {  	s0 =	sor.u32 s3, s0;
	s1 =	sshll.u32 s1, $0x11  }
0xc1: {  	s0 =	sor.u32 s1, s0  }
0xc2: {  	s0 =	sadd.s32 $0x8F2B, s0  }
0xc3: {  	[sflag:s0] =	ssyncadd.remote.s32 $0x1  }
0xc4: {  	_ =	sfence.sel $0xFFFF  }
0xc5: {  	[dreg:$0x0] =	wrdreg $0xFFFFFFFF;
	(pc) =	sbr.abs _section_cstart, $3  }
0xc6: {  	[dreg:$0x1] =	wrdreg $0xFFFFFFFF  }
0xc7: {  	_ =	task.clear_ibuf [dreg:s7], $0x2FFFF;
	_ =	strace $0x9FFFFFFF  }
0xc8: {  	(tm) =	ssettm $0x7FFFFFFF  }
0xc9: {  	_ =	shalt  }
tec
execute0_lowered:
.L_overlay_start_1:
0x0: {  	(tag) =	ssettag $0x1  }
0x1: {  	s1 =	srdreg.scid  }
0x2: {  	s4 =	rddreg [dreg:$0x0];
	s0 =	stileid.u32;
	s5 =	sand.u32 $0x1, s1  }
0x3: {  	s3 =	rddreg [dreg:$0x1];
	s6 =	sshll.u32 s0, $0x4;
	s7 =	sshll.u32 s5, $0x3  }
0x4: {  	s2 =	simm.s32 $0x0;
	s1 =	rddreg [dreg:$0x2];
	s11 =	sor.u32 s7, s6  }
0x5: {  	[smem:$0x7FF] =	sst s2;
	s6 =	sshrl.u32 s11, $0x3  }
0x6: {  	_ =	strace $0x80000047;
	s6 =	sadd.s32 s3, s6;
	s3 =	simm.s32 $0x2  }
0x7: {  	[tilespmem:s2], [sflag:$0x2] =	stream.linear.gather [hbm4b:s6+s2], $0x8, $0x38;
	[tilespmem:$0x880] =	vst v63  }
0x8: {  	_ =	swait.ge [sflag:s3], $0x8  }
0x9: {  	s8 =	simm.s32 $0x8;
	s9 =	simm.s32 $0x80;
	[sflag:s3] =	ssyncset.done $0x0  }
0xa: {  	s10 =	simm.s32 $0x1;
	s7 =	sadd.s32 $0xC00, s4;
	[sflag:s3] =	ssyncadd.s32 $0xFFFFFFF8  }
0xb: {  	[tilespmem:s9], [sflag:$0x1] =	stream.indirect.gather [hbm4b:s7+s8], $0x80, s2, s8, $0xb8;
	[tilespmem:$0x880] =	vst v63  }
0xc: {  	_ =	swait.ge [sflag:s10], $0x400  }
0xd: {  	[sflag:s10] =	ssyncset.done $0x0  }
0xe: {  	[sflag:s10] =	ssyncadd.s32 $0xFFFFFC00  }
0xf: {  	v0 =	vld [tilespmem:$0x320]  }
0x10: {  	v1 =	vld [tilespmem:$0x3A0]  }
0x11: {  	v4 =	vld [tilespmem:$0x390]  }
0x12: {  	v3 =	vld [tilespmem:$0x120]  }
0x13: {  	v2 =	vld [tilespmem:$0x310]  }
0x14: {  	v7 =	vld [tilespmem:$0x420]  }
0x15: {  	s5 =	ssub.s32 $0x2, s5;
	v5 =	vld [tilespmem:$0x210]  }
0x16: {  	s12 =	sshrl.u32 s5, $0x1;
	v6 =	vld [tilespmem:$0x200]  }
0x17: {  	s5 =	ssub.s32 s5, s12;
	v9 =	vld [tilespmem:$0x410]  }
0x18: {  	s12 =	smax.u32 s5, $0x1;
	v12 =	vld [tilespmem:$0x180]  }
0x19: {  	p0 =	sne.s32 s12, $0x1;
	v14 =	vld [tilespmem:$0x400]  }
.Ltmp0:
0x1a: {  	v10 =	vld [tilespmem:$0x100];
	(pc) =	sbr.rel @!p0 .LBB2_2-.Ltmp0, $4  }
0x1b: {  	v8 =	vld [tilespmem:$0x300]  }
0x1c: {  	s11 =	sshll.u32 s11, $0x4;
	v11 =	vld [tilespmem:$0x80];
	v13 =	vmul.f32 $1.000000010e-01, v6  }
0x1d: {  	s4 =	sadd.s32 s11, s4;
	v6 =	vmul.f32 $1.000000010e-01, v12;
	v12 =	vld [tilespmem:$0x380]  }
0x1e: {  	vm0 =	vmmov $0x3ff;
	s5 =	simm.s32 $0x480;
	s4 =	sadd.s32 $0x50C00, s4;
	s11 =	sadd.s32 $0xFFFFFFFF, s12;
	v14 =	vmul.f32 $1.000000010e-01, v14;
	v5 =	vmul.f32 v5, v13;
	v13 =	vld [tilespmem:$0x110]  }
.LBB2_1:
0x1f: {  	p0 =	sne.s32 s11, $0x1;
	s11 =	sadd.s32 $0xFFFFFFFF, s11;
	v15 =	vld [tilespmem:$0x280]  }
0x20: {  	v16 =	vld [tilespmem:$0x90];
	v9 =	vmul.f32 v9, v14  }
0x21: {  	v10 =	vmul.f32 $1.000000010e-01, v10;
	v14 =	vld [tilespmem:$0x290]  }
0x22: {  	v11 =	vmul.f32 $1.000000010e-01, v11;
	v17 =	vld [tilespmem:$0xA0];
	v12 =	vmul.f32 $1.000000010e-01, v12;
	v7 =	vadd.f32 v7, v9  }
0x23: {  	v9 =	vmul.f32 v13, v10;
	v10 =	vld [tilespmem:$0x2A0]  }
0x24: {  	v13 =	vld [tilespmem:$0x190];
	v15 =	vmul.f32 $1.000000010e-01, v15;
	v4 =	vmul.f32 v4, v12;
	v7 =	vnsel vm0, $0x0, v7  }
0x25: {  	v8 =	vmul.f32 $1.000000010e-01, v8;
	v11 =	vmul.f32 v16, v11;
	v3 =	vadd.f32 v3, v9;
	v9 =	vld [tilespmem:$0x220];
	[tilespmem:$0x800] =	vst v7  }
0x26: {  	v7 =	vld [tilespmem:$0x1A0];
	v12 =	vmul.f32 v14, v15;
	v1 =	vadd.f32 v1, v4  }
0x27: {  	v2 =	vmul.f32 v2, v8;
	v4 =	vadd.f32 v17, v11;
	v3 =	vnsel vm0, $0x0, v3  }
0x28: {  	[tilespmem:$0x500] =	vst v3;
	v3 =	vadd.f32 v10, v12;
	v1 =	vnsel vm0, $0x0, v1  }
0x29: {  	v0 =	vadd.f32 v0, v2;
	v4 =	vnsel vm0, $0x0, v4;
	v6 =	vmul.f32 v13, v6;
	[tilespmem:$0x780] =	vst v1  }
0x2a: {  	[tilespmem:$0x480] =	vst v4;
	v1 =	vnsel vm0, $0x0, v3  }
0x2b: {  	v0 =	vnsel vm0, $0x0, v0;
	v3 =	vadd.f32 v9, v5;
	v2 =	vadd.f32 v7, v6;
	[tilespmem:$0x680] =	vst v1;
	_ =	sdelay $0x1  }
0x2c: {  	v1 =	vnsel vm0, $0x0, v2;
	v2 =	vnsel vm0, $0x0, v3;
	[tilespmem:$0x700] =	vst v0  }
0x2d: {  	[tilespmem:$0x600] =	vst v2  }
0x2e: {  	[tilespmem:$0x580] =	vst v1  }
0x2f: {  	[hbm4b:s4+s2] =	stream.linear.scatter [tilespmem:s5], [sflag:$0x2], $0x400, $0x38;
	[tilespmem:$0x880] =	vst v63  }
0x30: {  	_ =	swait.ge [sflag:s3], $0x400  }
0x31: {  	[sflag:s3] =	ssyncset.done $0x0  }
0x32: {  	[sflag:s3] =	ssyncadd.s32 $0xFFFFFC00  }
0x33: {  	[tilespmem:s2], [sflag:$0x2] =	stream.linear.gather [hbm4b:s6+s2], $0x8, $0x38;
	[tilespmem:$0x880] =	vst v63  }
0x34: {  	_ =	swait.ge [sflag:s3], $0x8  }
0x35: {  	[sflag:s3] =	ssyncset.done $0x0  }
0x36: {  	[sflag:s3] =	ssyncadd.s32 $0xFFFFFFF8  }
0x37: {  	[tilespmem:s9], [sflag:$0x1] =	stream.indirect.gather [hbm4b:s7+s8], $0x80, s2, s8, $0xb8;
	[tilespmem:$0x880] =	vst v63  }
0x38: {  	_ =	swait.ge [sflag:s10], $0x400  }
0x39: {  	[sflag:s10] =	ssyncset.done $0x0  }
0x3a: {  	[sflag:s10] =	ssyncadd.s32 $0xFFFFFC00  }
0x3b: {  	v0 =	vld [tilespmem:$0x320]  }
0x3c: {  	v1 =	vld [tilespmem:$0x3A0]  }
0x3d: {  	v4 =	vld [tilespmem:$0x390]  }
0x3e: {  	v3 =	vld [tilespmem:$0x120]  }
0x3f: {  	v2 =	vld [tilespmem:$0x310]  }
0x40: {  	v7 =	vld [tilespmem:$0x420]  }
0x41: {  	v5 =	vld [tilespmem:$0x210]  }
0x42: {  	v6 =	vld [tilespmem:$0x200]  }
0x43: {  	v9 =	vld [tilespmem:$0x410]  }
0x44: {  	v12 =	vld [tilespmem:$0x180]  }
0x45: {  	v14 =	vld [tilespmem:$0x400]  }
.Ltmp1:
0x46: {  	v10 =	vld [tilespmem:$0x100];
	(pc) =	sbr.rel @p0 .LBB2_1-.Ltmp1, $4  }
0x47: {  	v13 =	vmul.f32 $1.000000010e-01, v6;
	v8 =	vld [tilespmem:$0x300]  }
0x48: {  	v11 =	vld [tilespmem:$0x80]  }
0x49: {  	v6 =	vmul.f32 $1.000000010e-01, v12;
	v5 =	vmul.f32 v5, v13;
	v12 =	vld [tilespmem:$0x380]  }
0x4a: {  	v13 =	vld [tilespmem:$0x110];
	v14 =	vmul.f32 $1.000000010e-01, v14  }
.LBB2_2:
0x4b: {  	v15 =	vld [tilespmem:$0x280]  }
0x4c: {  	v16 =	vld [tilespmem:$0x90]  }
0x4d: {  	v55 =	vld [tilespmem:$0x220];
	v8 =	vmul.f32 $1.000000010e-01, v8  }
0x4e: {  	v17 =	vld [tilespmem:$0x290];
	v9 =	vmul.f32 v9, v14  }
0x4f: {  	v10 =	vmul.f32 $1.000000010e-01, v10;
	v54 =	vld [tilespmem:$0x190];
	v2 =	vmul.f32 v2, v8  }
0x50: {  	v52 =	vld [tilespmem:$0xA0];
	v11 =	vmul.f32 $1.000000010e-01, v11;
	v12 =	vmul.f32 $1.000000010e-01, v12;
	v7 =	vadd.f32 v7, v9  }
0x51: {  	v56 =	vld [tilespmem:$0x1A0];
	v10 =	vmul.f32 v13, v10;
	v15 =	vmul.f32 $1.000000010e-01, v15;
	v0 =	vadd.f32 v0, v2  }
0x52: {  	v53 =	vld [tilespmem:$0x2A0];
	v4 =	vmul.f32 v4, v12;
	v7 =	vnsel vm0, $0x0, v7;
	v60 =	vadd.f32 v55, v5  }
0x53: {  	v11 =	vmul.f32 v16, v11;
	v3 =	vadd.f32 v3, v10;
	[tilespmem:$0x800] =	vst v7;
	v0 =	vnsel vm0, $0x0, v0  }
0x54: {  	v6 =	vmul.f32 v54, v6;
	v1 =	vadd.f32 v1, v4;
	v62 =	vnsel vm0, $0x0, v60;
	[tilespmem:$0x700] =	vst v0  }
0x55: {  	v15 =	vmul.f32 v17, v15;
	v57 =	vadd.f32 v52, v11;
	v3 =	vnsel vm0, $0x0, v3;
	[tilespmem:$0x600] =	vst v62  }
0x56: {  	v61 =	vadd.f32 v56, v6;
	[tilespmem:$0x500] =	vst v3;
	v1 =	vnsel vm0, $0x0, v1  }
0x57: {  	v58 =	vadd.f32 v53, v15;
	v4 =	vnsel vm0, $0x0, v57;
	[tilespmem:$0x780] =	vst v1  }
0x58: {  	v63 =	vnsel vm0, $0x0, v61;
	[tilespmem:$0x480] =	vst v4  }
0x59: {  	[tilespmem:$0x580] =	vst v63;
	v59 =	vnsel vm0, $0x0, v58  }
0x5a: {  	[tilespmem:$0x680] =	vst v59  }
0x5b: {  	[hbm4b:s4+s2] =	stream.linear.scatter [tilespmem:s5], [sflag:$0x2], $0x400, $0x38;
	[tilespmem:$0x880] =	vst v63  }
0x5c: {  	_ =	swait.ge [sflag:s3], $0x400  }
0x5d: {  	[sflag:s3] =	ssyncset.done $0x0  }
0x5e: {  	[sflag:s3] =	ssyncadd.s32 $0xFFFFFC00  }
0x5f: {  	_ =	sfence.sel $0x180000  }
0x60: {  	[bflag:$0x0] =	sbarrier.arrive $0xFFFF  }
0x61: {  	p0 =	sne.s32 s0, $0x0;
	_ =	strace $0x90000047  }
0x62: {  	s0 =	sadd.s32 @!p0 $0x100000, s1;
	[bflag:$0x2] =	sbarrier.arrive $0xFFFF  }
0x63: {  	[sflag:s0] =	ssyncadd.tile.s32 @!p0 $0x1;
	_ =	shalt  }
.Lfunc_end2:
_tile_overlayer_lowered:
.L_overlay_start_2:
0x64: {  	(tag) =	ssettag $0x2  }
0x65: {  	s0 =	rddreg [dreg:$0x0];
	s2 =	stileid.u32  }
0x66: {  	s1 =	rddreg [dreg:$0x1];
	p0 =	sne.s32 s2, $0x0  }
0x67: {  	s3 =	rddreg [dreg:$0x2];
	[bflag:$0x3] =	sbarrier.arrive $0xFFFF;
	s2 =	simm.s32 @!p0 $0x1C02  }
0x68: {  	[timem:s3], [sflag:s2] =	dma.local @!p0 [hbm:s0], s1  }
0x69: {  	s0 =	simm.s32 @!p0 $0x2  }
0x6a: {  	_ =	swait.ge @!p0 [sflag:s0], s1  }
0x6b: {  	s1 =	ssub.s32 @!p0 $0x0, s1;
	[sflag:s0] =	ssyncset.done @!p0 $0x0  }
0x6c: {  	[sflag:s0] =	ssyncadd.s32 @!p0 s1  }
0x6d: {  	[bflag:$0x3] =	sbarrier.arrive $0xFFFF  }
0x6e: {  	_ =	shalt  }

</sc_bundles>
